<compile_context>
chip_gen: v7x
topology: tpu7x:2x2x1
jax: 0.10.2.dev20260603
libtpu: 0.0.44.dev20260713+nightly
codegen_flags: <defaults>
</compile_context>

<pallas_src>
import functools

import jax
import jax.numpy as jnp
from jax import lax
from jax.experimental import pallas as pl
from jax.experimental.pallas import tpu as pltpu
import jax.experimental.pallas.tpu_sc as plsc

N_NODES = 10000
N_PAD = 10240
N_EDGES = 320000
D_IN = 128
D_HID = 256
D_OUT = 128
DEG_W = 16

NC = 2
NS = 16
E_PER_SC = N_EDGES // NC
E_PER_TILE = E_PER_SC // NS
CHUNK = 40
N_CHUNKS = E_PER_TILE // CHUNK
ROWS_PER_TILE = N_PAD // NS

ROW_BLK = 1024


def _proj_body(x_ref, win_ref, bin_ref, wl_ref, wr_ref, bl_ref,
               g_ref, r_ref):
    x = x_ref[...]
    h = jax.lax.dot_general(x, win_ref[...], (((1,), (1,)), ((), ())),
                            preferred_element_type=jnp.float32)
    h = jnp.maximum(h + bin_ref[...], 0.0)
    g_ref[...] = jax.lax.dot_general(h, wl_ref[...], (((1,), (1,)), ((), ())),
                                     preferred_element_type=jnp.float32)
    r_ref[...] = jax.lax.dot_general(h, wr_ref[...], (((1,), (1,)), ((), ())),
                                     preferred_element_type=jnp.float32) + bl_ref[...]


def _final_body(p0_ref, p1_ref, d0_ref, d1_ref, r_ref, out_ref):
    s = p0_ref[...] + p1_ref[...]
    deg = d0_ref[:, 0:1] + d1_ref[:, 0:1]
    mean = s / jnp.maximum(deg, 1.0)
    o = mean + r_ref[...]
    m = jnp.max(o, axis=1, keepdims=True)
    lse = jnp.log(jnp.sum(jnp.exp(o - m), axis=1, keepdims=True))
    out_ref[...] = o - m - lse


def _sc_edge_agg(g, src, dst, zeros_p, zeros_d):
    mesh = plsc.VectorSubcoreMesh(core_axis_name="c", subcore_axis_name="s")

    @functools.partial(
        pl.kernel,
        out_type=(
            jax.ShapeDtypeStruct((NC * N_PAD, D_OUT), jnp.float32),
            jax.ShapeDtypeStruct((NC * N_PAD, DEG_W), jnp.float32),
        ),
        mesh=mesh,
        compiler_params=pltpu.CompilerParams(use_tc_tiling_on_sc=False),
        scratch_types=[
            pltpu.VMEM((N_CHUNKS, CHUNK), jnp.int32),
            pltpu.VMEM((N_CHUNKS, CHUNK), jnp.int32),
            pltpu.VMEM((3, CHUNK, D_OUT), jnp.float32),
            pltpu.VMEM((CHUNK, DEG_W), jnp.float32),
            pltpu.VMEM_SHARED((N_PAD, D_OUT), jnp.float32),
            pltpu.VMEM_SHARED((N_PAD, DEG_W), jnp.float32),
            pltpu.SemaphoreType.DMA,
            pltpu.SemaphoreType.DMA,
            pltpu.SemaphoreType.DMA,
        ],
    )
    def edge_agg(g_hbm, src_hbm, dst_hbm, zp_hbm, zd_hbm, out_hbm, deg_hbm,
                 src_v, dst_v, rows_v, ones_v, acc_sh, dega_sh,
                 sem0, sem1, sem2):
        c = lax.axis_index("c")
        s = lax.axis_index("s")
        sems = (sem0, sem1, sem2)

        stripe = pl.ds(s * ROWS_PER_TILE, ROWS_PER_TILE)
        pltpu.sync_copy(zp_hbm.at[stripe], acc_sh.at[stripe])
        pltpu.sync_copy(zd_hbm.at[stripe], dega_sh.at[stripe])
        pltpu.sync_copy(src_hbm.at[c, s], src_v)
        pltpu.sync_copy(dst_hbm.at[c, s], dst_v)

        lane = lax.broadcasted_iota(jnp.int32, (DEG_W,), 0)
        one_vec = jnp.where(lane == 0, 1.0, 0.0).astype(jnp.float32)

        def fill(r, carry):
            ones_v[r, :] = one_vec
            return carry

        lax.fori_loop(0, CHUNK, fill, 0)
        plsc.subcore_barrier()

        def gather(i, b):
            pltpu.async_copy(g_hbm.at[src_v.at[i]], rows_v.at[b], sems[b])

        def gwait(i, b):
            pltpu.make_async_copy(g_hbm.at[src_v.at[i]], rows_v.at[b],
                                  sems[b]).wait()

        def step(i, b):
            gwait(i, b)

            @pl.when(i + 2 < N_CHUNKS)
            def _():
                gather(i + 2, (b + 2) % 3)

            pltpu.sync_copy(rows_v.at[b], acc_sh.at[dst_v.at[i]], add=True)
            pltpu.sync_copy(ones_v, dega_sh.at[dst_v.at[i]], add=True)

        gather(0, 0)
        gather(1, 1)

        def body(j, carry):
            i0 = j * 3
            step(i0, 0)
            step(i0 + 1, 1)
            step(i0 + 2, 2)
            return carry

        n_triples = N_CHUNKS // 3
        lax.fori_loop(0, n_triples, body, 0)
        for i in range(n_triples * 3, N_CHUNKS):
            step(i, i % 3)
        plsc.subcore_barrier()

        out_stripe = pl.ds(c * N_PAD + s * ROWS_PER_TILE, ROWS_PER_TILE)
        pltpu.sync_copy(acc_sh.at[stripe], out_hbm.at[out_stripe])
        pltpu.sync_copy(dega_sh.at[stripe], deg_hbm.at[out_stripe])

    return edge_agg(g, src, dst, zeros_p, zeros_d)


def kernel(x, edge_index, W_in, b_in, W_l, b_l, W_r):
    src = edge_index[0].reshape(NC, NS, N_CHUNKS, CHUNK)
    dst = edge_index[1].reshape(NC, NS, N_CHUNKS, CHUNK)
    x_pad = jnp.pad(x, ((0, N_PAD - N_NODES), (0, 0)))
    b_in2 = b_in.reshape(1, D_HID)
    b_l2 = b_l.reshape(1, D_OUT)

    n_blocks = N_PAD // ROW_BLK
    g, r = pl.pallas_call(
        _proj_body,
        grid=(n_blocks,),
        in_specs=[
            pl.BlockSpec((ROW_BLK, D_IN), lambda i: (i, 0)),
            pl.BlockSpec((D_HID, D_IN), lambda i: (0, 0)),
            pl.BlockSpec((1, D_HID), lambda i: (0, 0)),
            pl.BlockSpec((D_OUT, D_HID), lambda i: (0, 0)),
            pl.BlockSpec((D_OUT, D_HID), lambda i: (0, 0)),
            pl.BlockSpec((1, D_OUT), lambda i: (0, 0)),
        ],
        out_specs=[
            pl.BlockSpec((ROW_BLK, D_OUT), lambda i: (i, 0)),
            pl.BlockSpec((ROW_BLK, D_OUT), lambda i: (i, 0)),
        ],
        out_shape=[
            jax.ShapeDtypeStruct((N_PAD, D_OUT), jnp.float32),
            jax.ShapeDtypeStruct((N_PAD, D_OUT), jnp.float32),
        ],
    )(x_pad, W_in, b_in2, W_l, W_r, b_l2)

    zeros_p = jnp.zeros((N_PAD, D_OUT), jnp.float32)
    zeros_d = jnp.zeros((N_PAD, DEG_W), jnp.float32)
    parts, degs = _sc_edge_agg(g, src, dst, zeros_p, zeros_d)

    blocks_per_half = n_blocks
    out = pl.pallas_call(
        _final_body,
        grid=(n_blocks,),
        in_specs=[
            pl.BlockSpec((ROW_BLK, D_OUT), lambda i: (i, 0)),
            pl.BlockSpec((ROW_BLK, D_OUT),
                         lambda i: (i + blocks_per_half, 0)),
            pl.BlockSpec((ROW_BLK, DEG_W), lambda i: (i, 0)),
            pl.BlockSpec((ROW_BLK, DEG_W),
                         lambda i: (i + blocks_per_half, 0)),
            pl.BlockSpec((ROW_BLK, D_OUT), lambda i: (i, 0)),
        ],
        out_specs=pl.BlockSpec((ROW_BLK, D_OUT), lambda i: (i, 0)),
        out_shape=jax.ShapeDtypeStruct((N_PAD, D_OUT), jnp.float32),
    )(parts, parts, degs, degs, r)
    return out[:N_NODES]

# --- scband reference (transcript-rebuilt; emitter-appended) ---
"""Pipeline reference for scband-net-51977694216541 (READ-ONLY COPY).

The authoritative reference and input builder live on the scoring server;
editing this copy changes nothing except your own understanding.
"""

import jax, jax.numpy as jnp
import numpy as np

N_NODES = 10000
N_EDGES = 320000
D_IN = 128
D_HID = 256
D_OUT = 128

def setup_inputs(seed: int = 0) -> dict:
    key = jax.random.key(seed)
    ks = jax.random.split(key, 8)
    x = jax.random.normal(ks[0], (N_NODES, D_IN), dtype=jnp.float32)
    edge_index = jax.random.randint(ks[1], (2, N_EDGES), 0, N_NODES, dtype=jnp.int64 if jax.config.jax_enable_x64 else jnp.int32).astype(jnp.int32)
    # inProj: Linear(D_IN, D_HID)
    W_in = jax.random.normal(ks[2], (D_HID, D_IN), dtype=jnp.float32) * (1.0 / np.sqrt(D_IN))
    b_in = jax.random.normal(ks[3], (D_HID,), dtype=jnp.float32) * 0.01
    # SAGEConv(D_HID, D_OUT): lin_l (on aggregated neighbors, with bias), lin_r (on root, no bias)
    W_l = jax.random.normal(ks[4], (D_OUT, D_HID), dtype=jnp.float32) * (1.0 / np.sqrt(D_HID))
    b_l = jax.random.normal(ks[5], (D_OUT,), dtype=jnp.float32) * 0.01
    W_r = jax.random.normal(ks[6], (D_OUT, D_HID), dtype=jnp.float32) * (1.0 / np.sqrt(D_HID))
    return {"x": x, "edge_index": edge_index, "W_in": W_in, "b_in": b_in, "W_l": W_l, "b_l": b_l, "W_r": W_r}

def reference(x, edge_index, W_in, b_in, W_l, b_l, W_r):
    # x = inProj(x); inp = x; x = relu(x)
    h = x @ W_in.T + b_in
    h = jax.nn.relu(h)
    # SAGEConv with mean aggregation (single layer, so no relu/dropout/residual after)
    src = edge_index[0]
    dst = edge_index[1]
    msgs = jnp.take(h, src, axis=0)  # gather source node features [E, D_HID]
    agg_sum = jax.ops.segment_sum(msgs, dst, num_segments=N_NODES)
    deg = jax.ops.segment_sum(jnp.ones((msgs.shape[0],), dtype=h.dtype), dst, num_segments=N_NODES)
    mean = agg_sum / jnp.clip(deg, 1.0, None)[:, None]
    out = mean @ W_l.T + b_l + h @ W_r.T
    # log_softmax over last dim
    return jax.nn.log_softmax(out, axis=-1)

if __name__ == "__main__":
    import jax
    _d = setup_inputs()
    print(jax.jit(kernel)(*tuple(_d.values())))

</pallas_src>

<mosaic_0001>
#map = affine_map<(d0, d1) -> (0, 0)>
#map1 = affine_map<(d0, d1) -> (0, 0, 0, 0)>
module attributes {stable_mosaic.version = 14 : i64} {
  func.func @edge_agg(%arg0: i32, %arg1: i32, %arg2: memref<10240x128xf32, #tpu.memory_space<hbm>>, %arg3: memref<2x16x250x40xi32, #tpu.memory_space<hbm>>, %arg4: memref<2x16x250x40xi32, #tpu.memory_space<hbm>>, %arg5: memref<10240x128xf32, #tpu.memory_space<hbm>>, %arg6: memref<10240x16xf32, #tpu.memory_space<hbm>>, %arg7: memref<20480x128xf32, #tpu.memory_space<hbm>>, %arg8: memref<20480x16xf32, #tpu.memory_space<hbm>>, %arg9: memref<250x40xi32, #tpu.memory_space<vmem>>, %arg10: memref<250x40xi32, #tpu.memory_space<vmem>>, %arg11: memref<3x40x128xf32, #tpu.memory_space<vmem>>, %arg12: memref<40x16xf32, #tpu.memory_space<vmem>>, %arg13: memref<10240x128xf32, #tpu.memory_space<vmem_shared>>, %arg14: memref<10240x16xf32, #tpu.memory_space<vmem_shared>>, %arg15: memref<!tpu.dma_semaphore, #tpu.memory_space<semaphore_mem>>, %arg16: memref<!tpu.dma_semaphore, #tpu.memory_space<semaphore_mem>>, %arg17: memref<!tpu.dma_semaphore, #tpu.memory_space<semaphore_mem>>) attributes {dimension_semantics = [#tpu.dimension_semantics<core_parallel>, #tpu.dimension_semantics<subcore_parallel>], iteration_bounds = array<i64: 2, 16>, scalar_prefetch = 0 : i64, scratch_operands = 9 : i64, tpu.core_type = #tpu.core_type<sc_vector_subcore>, window_params = [{transform_indices = #map}, {transform_indices = #map1}, {transform_indices = #map1}, {transform_indices = #map}, {transform_indices = #map}, {transform_indices = #map}, {transform_indices = #map}]} {
    %mul3A = arith.constant 640 : i32
    %mul3A_0 = arith.muli %arg1, %mul3A : i32
    "tpu.region"() ({
      %run_scoped3A_57 = tpu.sem_alloc : memref<!tpu.dma_semaphore, #tpu.memory_space<semaphore_mem>>
      %dma_start3A_58 = arith.constant 0 : i32
      %dma_start3A_59 = tpu.memref_slice %arg13[%mul3A_0, %dma_start3A_58] : memref<10240x128xf32, #tpu.memory_space<vmem_shared>> -> memref<640x128xf32, #tpu.memory_space<vmem_shared>>
      %dma_start3A_60 = arith.constant 0 : i32
      %dma_start3A_61 = tpu.memref_slice %arg5[%mul3A_0, %dma_start3A_60] : memref<10240x128xf32, #tpu.memory_space<hbm>> -> memref<640x128xf32, #tpu.memory_space<hbm>>
      tpu.enqueue_dma source(%dma_start3A_61 : memref<640x128xf32, #tpu.memory_space<hbm>>) target(%dma_start3A_59 : memref<640x128xf32, #tpu.memory_space<vmem_shared>>) target_semaphore(%run_scoped3A_57 : memref<!tpu.dma_semaphore, #tpu.memory_space<semaphore_mem>>)
      %dma_wait3A_62 = arith.constant 0 : i32
      %dma_wait3A_63 = tpu.memref_slice %arg13[%mul3A_0, %dma_wait3A_62] : memref<10240x128xf32, #tpu.memory_space<vmem_shared>> -> memref<640x128xf32, #tpu.memory_space<vmem_shared>>
      %dma_wait3A_64 = arith.constant 0 : i32
      %dma_wait3A_65 = tpu.memref_slice %arg5[%mul3A_0, %dma_wait3A_64] : memref<10240x128xf32, #tpu.memory_space<hbm>> -> memref<640x128xf32, #tpu.memory_space<hbm>>
      tpu.wait_dma2 semaphore(%run_scoped3A_57 : memref<!tpu.dma_semaphore, #tpu.memory_space<semaphore_mem>>) src(%dma_wait3A_65 : memref<640x128xf32, #tpu.memory_space<hbm>>) dst(%dma_wait3A_63 : memref<640x128xf32, #tpu.memory_space<vmem_shared>>)
      tpu.yield
    }) : () -> ()
    "tpu.region"() ({
      %run_scoped3A_57 = tpu.sem_alloc : memref<!tpu.dma_semaphore, #tpu.memory_space<semaphore_mem>>
      %dma_start3A_58 = arith.constant 0 : i32
      %dma_start3A_59 = tpu.memref_slice %arg14[%mul3A_0, %dma_start3A_58] : memref<10240x16xf32, #tpu.memory_space<vmem_shared>> -> memref<640x16xf32, #tpu.memory_space<vmem_shared>>
      %dma_start3A_60 = arith.constant 0 : i32
      %dma_start3A_61 = tpu.memref_slice %arg6[%mul3A_0, %dma_start3A_60] : memref<10240x16xf32, #tpu.memory_space<hbm>> -> memref<640x16xf32, #tpu.memory_space<hbm>>
      tpu.enqueue_dma source(%dma_start3A_61 : memref<640x16xf32, #tpu.memory_space<hbm>>) target(%dma_start3A_59 : memref<640x16xf32, #tpu.memory_space<vmem_shared>>) target_semaphore(%run_scoped3A_57 : memref<!tpu.dma_semaphore, #tpu.memory_space<semaphore_mem>>)
      %dma_wait3A_62 = arith.constant 0 : i32
      %dma_wait3A_63 = tpu.memref_slice %arg14[%mul3A_0, %dma_wait3A_62] : memref<10240x16xf32, #tpu.memory_space<vmem_shared>> -> memref<640x16xf32, #tpu.memory_space<vmem_shared>>
      %dma_wait3A_64 = arith.constant 0 : i32
      %dma_wait3A_65 = tpu.memref_slice %arg6[%mul3A_0, %dma_wait3A_64] : memref<10240x16xf32, #tpu.memory_space<hbm>> -> memref<640x16xf32, #tpu.memory_space<hbm>>
      tpu.wait_dma2 semaphore(%run_scoped3A_57 : memref<!tpu.dma_semaphore, #tpu.memory_space<semaphore_mem>>) src(%dma_wait3A_65 : memref<640x16xf32, #tpu.memory_space<hbm>>) dst(%dma_wait3A_63 : memref<640x16xf32, #tpu.memory_space<vmem_shared>>)
      tpu.yield
    }) : () -> ()
    "tpu.region"() ({
      %run_scoped3A_57 = tpu.sem_alloc : memref<!tpu.dma_semaphore, #tpu.memory_space<semaphore_mem>>
      %dma_start3A_58 = arith.constant 0 : i32
      %dma_start3A_59 = arith.constant 0 : i32
      %dma_start3A_60 = tpu.memref_slice %arg3[%arg0, %arg1, %dma_start3A_58, %dma_start3A_59] : memref<2x16x250x40xi32, #tpu.memory_space<hbm>> -> memref<1x1x250x40xi32, #tpu.memory_space<hbm>>
      %dma_start3A_61 = tpu.memref_squeeze %dma_start3A_60 : memref<1x1x250x40xi32, #tpu.memory_space<hbm>> -> memref<250x40xi32, #tpu.memory_space<hbm>>
      %dma_start3A_62 = arith.constant 0 : i32
      %dma_start3A_63 = arith.constant 0 : i32
      %dma_start3A_64 = tpu.memref_slice %arg3[%arg0, %arg1, %dma_start3A_62, %dma_start3A_63] : memref<2x16x250x40xi32, #tpu.memory_space<hbm>> -> memref<1x1x250x40xi32, #tpu.memory_space<hbm>>
      %dma_start3A_65 = tpu.memref_squeeze %dma_start3A_64 : memref<1x1x250x40xi32, #tpu.memory_space<hbm>> -> memref<250x40xi32, #tpu.memory_space<hbm>>
      tpu.enqueue_dma source(%dma_start3A_65 : memref<250x40xi32, #tpu.memory_space<hbm>>) target(%arg9 : memref<250x40xi32, #tpu.memory_space<vmem>>) target_semaphore(%run_scoped3A_57 : memref<!tpu.dma_semaphore, #tpu.memory_space<semaphore_mem>>)
      %dma_wait3A_66 = arith.constant 0 : i32
      %dma_wait3A_67 = arith.constant 0 : i32
      %dma_wait3A_68 = tpu.memref_slice %arg3[%arg0, %arg1, %dma_wait3A_66, %dma_wait3A_67] : memref<2x16x250x40xi32, #tpu.memory_space<hbm>> -> memref<1x1x250x40xi32, #tpu.memory_space<hbm>>
      %dma_wait3A_69 = tpu.memref_squeeze %dma_wait3A_68 : memref<1x1x250x40xi32, #tpu.memory_space<hbm>> -> memref<250x40xi32, #tpu.memory_space<hbm>>
      %dma_wait3A_70 = arith.constant 0 : i32
      %dma_wait3A_71 = arith.constant 0 : i32
      %dma_wait3A_72 = tpu.memref_slice %arg3[%arg0, %arg1, %dma_wait3A_70, %dma_wait3A_71] : memref<2x16x250x40xi32, #tpu.memory_space<hbm>> -> memref<1x1x250x40xi32, #tpu.memory_space<hbm>>
      %dma_wait3A_73 = tpu.memref_squeeze %dma_wait3A_72 : memref<1x1x250x40xi32, #tpu.memory_space<hbm>> -> memref<250x40xi32, #tpu.memory_space<hbm>>
      tpu.wait_dma2 semaphore(%run_scoped3A_57 : memref<!tpu.dma_semaphore, #tpu.memory_space<semaphore_mem>>) src(%dma_wait3A_73 : memref<250x40xi32, #tpu.memory_space<hbm>>) dst(%arg9 : memref<250x40xi32, #tpu.memory_space<vmem>>)
      tpu.yield
    }) : () -> ()
    "tpu.region"() ({
      %run_scoped3A_57 = tpu.sem_alloc : memref<!tpu.dma_semaphore, #tpu.memory_space<semaphore_mem>>
      %dma_start3A_58 = arith.constant 0 : i32
      %dma_start3A_59 = arith.constant 0 : i32
      %dma_start3A_60 = tpu.memref_slice %arg4[%arg0, %arg1, %dma_start3A_58, %dma_start3A_59] : memref<2x16x250x40xi32, #tpu.memory_space<hbm>> -> memref<1x1x250x40xi32, #tpu.memory_space<hbm>>
      %dma_start3A_61 = tpu.memref_squeeze %dma_start3A_60 : memref<1x1x250x40xi32, #tpu.memory_space<hbm>> -> memref<250x40xi32, #tpu.memory_space<hbm>>
      %dma_start3A_62 = arith.constant 0 : i32
      %dma_start3A_63 = arith.constant 0 : i32
      %dma_start3A_64 = tpu.memref_slice %arg4[%arg0, %arg1, %dma_start3A_62, %dma_start3A_63] : memref<2x16x250x40xi32, #tpu.memory_space<hbm>> -> memref<1x1x250x40xi32, #tpu.memory_space<hbm>>
      %dma_start3A_65 = tpu.memref_squeeze %dma_start3A_64 : memref<1x1x250x40xi32, #tpu.memory_space<hbm>> -> memref<250x40xi32, #tpu.memory_space<hbm>>
      tpu.enqueue_dma source(%dma_start3A_65 : memref<250x40xi32, #tpu.memory_space<hbm>>) target(%arg10 : memref<250x40xi32, #tpu.memory_space<vmem>>) target_semaphore(%run_scoped3A_57 : memref<!tpu.dma_semaphore, #tpu.memory_space<semaphore_mem>>)
      %dma_wait3A_66 = arith.constant 0 : i32
      %dma_wait3A_67 = arith.constant 0 : i32
      %dma_wait3A_68 = tpu.memref_slice %arg4[%arg0, %arg1, %dma_wait3A_66, %dma_wait3A_67] : memref<2x16x250x40xi32, #tpu.memory_space<hbm>> -> memref<1x1x250x40xi32, #tpu.memory_space<hbm>>
      %dma_wait3A_69 = tpu.memref_squeeze %dma_wait3A_68 : memref<1x1x250x40xi32, #tpu.memory_space<hbm>> -> memref<250x40xi32, #tpu.memory_space<hbm>>
      %dma_wait3A_70 = arith.constant 0 : i32
      %dma_wait3A_71 = arith.constant 0 : i32
      %dma_wait3A_72 = tpu.memref_slice %arg4[%arg0, %arg1, %dma_wait3A_70, %dma_wait3A_71] : memref<2x16x250x40xi32, #tpu.memory_space<hbm>> -> memref<1x1x250x40xi32, #tpu.memory_space<hbm>>
      %dma_wait3A_73 = tpu.memref_squeeze %dma_wait3A_72 : memref<1x1x250x40xi32, #tpu.memory_space<hbm>> -> memref<250x40xi32, #tpu.memory_space<hbm>>
      tpu.wait_dma2 semaphore(%run_scoped3A_57 : memref<!tpu.dma_semaphore, #tpu.memory_space<semaphore_mem>>) src(%dma_wait3A_73 : memref<250x40xi32, #tpu.memory_space<hbm>>) dst(%arg10 : memref<250x40xi32, #tpu.memory_space<vmem>>)
      tpu.yield
    }) : () -> ()
    %iota3A = tpu.iota {dimensions = array<i32: 0>} : vector<16xi32>
    %eq3A = arith.constant 0 : i32
    %eq3A_1 = vector.broadcast %eq3A : i32 to vector<16xi32>
    %eq3A_2 = arith.cmpi eq, %iota3A, %eq3A_1 : vector<16xi32>
    %jit3A = arith.constant 1.000000e+00 : f32
    %jit3A_3 = arith.constant 0.000000e+00 : f32
    %broadcast_in_dim3A = vector.broadcast %jit3A : f32 to vector<16xf32>
    %broadcast_in_dim3A_4 = vector.broadcast %jit3A_3 : f32 to vector<16xf32>
    %select_n3A = arith.select %eq3A_2, %broadcast_in_dim3A, %broadcast_in_dim3A_4 : vector<16xi1>, vector<16xf32>
    %scan3A = arith.constant 0 : i32
    %scan3A_5 = arith.constant 0 : i32
    %scan3A_6 = arith.constant 40 : i32
    %scan3A_7 = arith.addi %scan3A_5, %scan3A_6 : i32
    %scan3A_8 = arith.constant 1 : i32
    scf.for %scan3A_57 = %scan3A_5 to %scan3A_7 step %scan3A_8  : i32 {
      %swap3A = arith.index_cast %scan3A_57 : i32 to index
      %swap3A_58 = arith.constant 0 : index
      %swap3A_59 = tpu.vector_load %arg12[%swap3A, %swap3A_58] {strides = array<i32>} : memref<40x16xf32, #tpu.memory_space<vmem>>, vector<1x16xf32>,
      %swap3A_60 = vector.shape_cast %swap3A_59 : vector<1x16xf32> to vector<16xf32>
      %swap3A_61 = vector.shape_cast %select_n3A : vector<16xf32> to vector<1x16xf32>
      tpu.vector_store %arg12[%swap3A, %swap3A_58], %swap3A_61 {strides = array<i32>} : memref<40x16xf32, #tpu.memory_space<vmem>>, vector<1x16xf32>,
    }
    %scan3A_9 = arith.constant 40 : i32
    %barrier3A = arith.constant 0 : index
    tpu.barrier barrier_id(%barrier3A)
    %dma_start3A = arith.constant 0 : i32
    %dma_start3A_10 = arith.constant 0 : i32
    %dma_start3A_11 = arith.constant 0 : i32
    %dma_start3A_12 = arith.constant 0 : i32
    %dma_start3A_13 = tpu.memref_slice %arg11[%dma_start3A_10, %dma_start3A_11, %dma_start3A_12] : memref<3x40x128xf32, #tpu.memory_space<vmem>> -> memref<1x40x128xf32, #tpu.memory_space<vmem>>
    %dma_start3A_14 = tpu.memref_squeeze %dma_start3A_13 : memref<1x40x128xf32, #tpu.memory_space<vmem>> -> memref<40x128xf32, #tpu.memory_space<vmem>>
    %dma_start3A_15 = arith.constant 0 : i32
    %dma_start3A_16 = tpu.memref_slice %arg9[%dma_start3A, %dma_start3A_15] : memref<250x40xi32, #tpu.memory_space<vmem>> -> memref<1x40xi32, #tpu.memory_space<vmem>>
    %dma_start3A_17 = tpu.memref_squeeze %dma_start3A_16 : memref<1x40xi32, #tpu.memory_space<vmem>> -> memref<40xi32, #tpu.memory_space<vmem>>
    %dma_start3A_18 = arith.constant 0 : i32
    %dma_start3A_19 = arith.constant 0 : i32
    %dma_start3A_20 = tpu.memref_slice %arg2[%dma_start3A_18, %dma_start3A_19] : memref<10240x128xf32, #tpu.memory_space<hbm>> -> memref<10240x128xf32, #tpu.memory_space<hbm>>
    tpu.enqueue_indirect_dma source(%dma_start3A_20 : memref<10240x128xf32, #tpu.memory_space<hbm>>) target(%dma_start3A_14 : memref<40x128xf32, #tpu.memory_space<vmem>>) offsets(%dma_start3A_17 : memref<40xi32, #tpu.memory_space<vmem>>) semaphore(%arg15 : memref<!tpu.dma_semaphore, #tpu.memory_space<semaphore_mem>>)
    %dma_start3A_21 = arith.constant 1 : i32
    %dma_start3A_22 = arith.constant 1 : i32
    %dma_start3A_23 = arith.constant 0 : i32
    %dma_start3A_24 = arith.constant 0 : i32
    %dma_start3A_25 = tpu.memref_slice %arg11[%dma_start3A_22, %dma_start3A_23, %dma_start3A_24] : memref<3x40x128xf32, #tpu.memory_space<vmem>> -> memref<1x40x128xf32, #tpu.memory_space<vmem>>
    %dma_start3A_26 = tpu.memref_squeeze %dma_start3A_25 : memref<1x40x128xf32, #tpu.memory_space<vmem>> -> memref<40x128xf32, #tpu.memory_space<vmem>>
    %dma_start3A_27 = arith.constant 0 : i32
    %dma_start3A_28 = tpu.memref_slice %arg9[%dma_start3A_21, %dma_start3A_27] : memref<250x40xi32, #tpu.memory_space<vmem>> -> memref<1x40xi32, #tpu.memory_space<vmem>>
    %dma_start3A_29 = tpu.memref_squeeze %dma_start3A_28 : memref<1x40xi32, #tpu.memory_space<vmem>> -> memref<40xi32, #tpu.memory_space<vmem>>
    %dma_start3A_30 = arith.constant 0 : i32
    %dma_start3A_31 = arith.constant 0 : i32
    %dma_start3A_32 = tpu.memref_slice %arg2[%dma_start3A_30, %dma_start3A_31] : memref<10240x128xf32, #tpu.memory_space<hbm>> -> memref<10240x128xf32, #tpu.memory_space<hbm>>
    tpu.enqueue_indirect_dma source(%dma_start3A_32 : memref<10240x128xf32, #tpu.memory_space<hbm>>) target(%dma_start3A_26 : memref<40x128xf32, #tpu.memory_space<vmem>>) offsets(%dma_start3A_29 : memref<40xi32, #tpu.memory_space<vmem>>) semaphore(%arg16 : memref<!tpu.dma_semaphore, #tpu.memory_space<semaphore_mem>>)
    %scan3A_33 = arith.constant 0 : i32
    %scan3A_34 = arith.constant 0 : i32
    %scan3A_35 = arith.constant 83 : i32
    %scan3A_36 = arith.addi %scan3A_34, %scan3A_35 : i32
    %scan3A_37 = arith.constant 1 : i32
    scf.for %scan3A_57 = %scan3A_34 to %scan3A_36 step %scan3A_37  : i32 {
      %mul3A_58 = arith.constant 3 : i32
      %mul3A_59 = arith.muli %scan3A_57, %mul3A_58 : i32
      %dma_wait3A_60 = arith.constant 0 : i32
      %dma_wait3A_61 = arith.constant 0 : i32
      %dma_wait3A_62 = arith.constant 0 : i32
      %dma_wait3A_63 = tpu.memref_slice %arg11[%dma_wait3A_60, %dma_wait3A_61, %dma_wait3A_62] : memref<3x40x128xf32, #tpu.memory_space<vmem>> -> memref<1x40x128xf32, #tpu.memory_space<vmem>>
      %dma_wait3A_64 = tpu.memref_squeeze %dma_wait3A_63 : memref<1x40x128xf32, #tpu.memory_space<vmem>> -> memref<40x128xf32, #tpu.memory_space<vmem>>
      %dma_wait3A_65 = arith.constant 0 : i32
      %dma_wait3A_66 = tpu.memref_slice %arg9[%mul3A_59, %dma_wait3A_65] : memref<250x40xi32, #tpu.memory_space<vmem>> -> memref<1x40xi32, #tpu.memory_space<vmem>>
      %dma_wait3A_67 = tpu.memref_squeeze %dma_wait3A_66 : memref<1x40xi32, #tpu.memory_space<vmem>> -> memref<40xi32, #tpu.memory_space<vmem>>
      %dma_wait3A_68 = arith.constant 0 : i32
      %dma_wait3A_69 = arith.constant 0 : i32
      %dma_wait3A_70 = tpu.memref_slice %arg2[%dma_wait3A_68, %dma_wait3A_69] : memref<10240x128xf32, #tpu.memory_space<hbm>> -> memref<10240x128xf32, #tpu.memory_space<hbm>>
      tpu.wait_indirect_dma semaphore(%arg15 : memref<!tpu.dma_semaphore, #tpu.memory_space<semaphore_mem>>) src(%dma_wait3A_70 : memref<10240x128xf32, #tpu.memory_space<hbm>>) dst(%dma_wait3A_64 : memref<40x128xf32, #tpu.memory_space<vmem>>)
      %add3A_71 = arith.constant 2 : i32
      %add3A_72 = arith.addi %mul3A_59, %add3A_71 : i32
      %lt3A = arith.constant 250 : i32
      %lt3A_73 = arith.cmpi slt, %add3A_72, %lt3A : i32
      %convert_element_type3A = arith.extui %lt3A_73 : i1 to i32
      %cond3A = arith.constant 0 : i32
      %cond3A_74 = arith.cmpi ne, %convert_element_type3A, %cond3A : i32
      scf.if %cond3A_74 {
        %add3A_118 = arith.constant 2 : i32
        %add3A_119 = arith.addi %mul3A_59, %add3A_118 : i32
        %dma_start3A_120 = arith.constant 2 : i32
        %dma_start3A_121 = arith.constant 0 : i32
        %dma_start3A_122 = arith.constant 0 : i32
        %dma_start3A_123 = tpu.memref_slice %arg11[%dma_start3A_120, %dma_start3A_121, %dma_start3A_122] : memref<3x40x128xf32, #tpu.memory_space<vmem>> -> memref<1x40x128xf32, #tpu.memory_space<vmem>>
        %dma_start3A_124 = tpu.memref_squeeze %dma_start3A_123 : memref<1x40x128xf32, #tpu.memory_space<vmem>> -> memref<40x128xf32, #tpu.memory_space<vmem>>
        %dma_start3A_125 = arith.constant 0 : i32
        %dma_start3A_126 = tpu.memref_slice %arg9[%add3A_119, %dma_start3A_125] : memref<250x40xi32, #tpu.memory_space<vmem>> -> memref<1x40xi32, #tpu.memory_space<vmem>>
        %dma_start3A_127 = tpu.memref_squeeze %dma_start3A_126 : memref<1x40xi32, #tpu.memory_space<vmem>> -> memref<40xi32, #tpu.memory_space<vmem>>
        %dma_start3A_128 = arith.constant 0 : i32
        %dma_start3A_129 = arith.constant 0 : i32
        %dma_start3A_130 = tpu.memref_slice %arg2[%dma_start3A_128, %dma_start3A_129] : memref<10240x128xf32, #tpu.memory_space<hbm>> -> memref<10240x128xf32, #tpu.memory_space<hbm>>
        tpu.enqueue_indirect_dma source(%dma_start3A_130 : memref<10240x128xf32, #tpu.memory_space<hbm>>) target(%dma_start3A_124 : memref<40x128xf32, #tpu.memory_space<vmem>>) offsets(%dma_start3A_127 : memref<40xi32, #tpu.memory_space<vmem>>) semaphore(%arg17 : memref<!tpu.dma_semaphore, #tpu.memory_space<semaphore_mem>>)
      } else {
      }
      %run_scoped3A_75 = arith.constant 0 : i32
      "tpu.region"() ({
        %run_scoped3A_118 = tpu.sem_alloc : memref<!tpu.dma_semaphore, #tpu.memory_space<semaphore_mem>>
        %dma_start3A_119 = arith.constant 0 : i32
        %dma_start3A_120 = arith.constant 0 : i32
        %dma_start3A_121 = tpu.memref_slice %arg11[%run_scoped3A_75, %dma_start3A_119, %dma_start3A_120] : memref<3x40x128xf32, #tpu.memory_space<vmem>> -> memref<1x40x128xf32, #tpu.memory_space<vmem>>
        %dma_start3A_122 = tpu.memref_squeeze %dma_start3A_121 : memref<1x40x128xf32, #tpu.memory_space<vmem>> -> memref<40x128xf32, #tpu.memory_space<vmem>>
        %dma_start3A_123 = arith.constant 0 : i32
        %dma_start3A_124 = tpu.memref_slice %arg10[%mul3A_59, %dma_start3A_123] : memref<250x40xi32, #tpu.memory_space<vmem>> -> memref<1x40xi32, #tpu.memory_space<vmem>>
        %dma_start3A_125 = tpu.memref_squeeze %dma_start3A_124 : memref<1x40xi32, #tpu.memory_space<vmem>> -> memref<40xi32, #tpu.memory_space<vmem>>
        %dma_start3A_126 = arith.constant 0 : i32
        %dma_start3A_127 = arith.constant 0 : i32
        %dma_start3A_128 = tpu.memref_slice %arg13[%dma_start3A_126, %dma_start3A_127] : memref<10240x128xf32, #tpu.memory_space<vmem_shared>> -> memref<10240x128xf32, #tpu.memory_space<vmem_shared>>
        tpu.enqueue_indirect_dma source(%dma_start3A_122 : memref<40x128xf32, #tpu.memory_space<vmem>>) target(%dma_start3A_128 : memref<10240x128xf32, #tpu.memory_space<vmem_shared>>) offsets(%dma_start3A_125 : memref<40xi32, #tpu.memory_space<vmem>>) semaphore(%run_scoped3A_118 : memref<!tpu.dma_semaphore, #tpu.memory_space<semaphore_mem>>) {add = true}
        %dma_wait3A_129 = arith.constant 0 : i32
        %dma_wait3A_130 = arith.constant 0 : i32
        %dma_wait3A_131 = tpu.memref_slice %arg11[%run_scoped3A_75, %dma_wait3A_129, %dma_wait3A_130] : memref<3x40x128xf32, #tpu.memory_space<vmem>> -> memref<1x40x128xf32, #tpu.memory_space<vmem>>
        %dma_wait3A_132 = tpu.memref_squeeze %dma_wait3A_131 : memref<1x40x128xf32, #tpu.memory_space<vmem>> -> memref<40x128xf32, #tpu.memory_space<vmem>>
        %dma_wait3A_133 = arith.constant 0 : i32
        %dma_wait3A_134 = tpu.memref_slice %arg10[%mul3A_59, %dma_wait3A_133] : memref<250x40xi32, #tpu.memory_space<vmem>> -> memref<1x40xi32, #tpu.memory_space<vmem>>
        %dma_wait3A_135 = tpu.memref_squeeze %dma_wait3A_134 : memref<1x40xi32, #tpu.memory_space<vmem>> -> memref<40xi32, #tpu.memory_space<vmem>>
        %dma_wait3A_136 = arith.constant 0 : i32
        %dma_wait3A_137 = arith.constant 0 : i32
        %dma_wait3A_138 = tpu.memref_slice %arg13[%dma_wait3A_136, %dma_wait3A_137] : memref<10240x128xf32, #tpu.memory_space<vmem_shared>> -> memref<10240x128xf32, #tpu.memory_space<vmem_shared>>
        tpu.wait_indirect_dma semaphore(%run_scoped3A_118 : memref<!tpu.dma_semaphore, #tpu.memory_space<semaphore_mem>>) src(%dma_wait3A_132 : memref<40x128xf32, #tpu.memory_space<vmem>>) dst(%dma_wait3A_138 : memref<10240x128xf32, #tpu.memory_space<vmem_shared>>)
        tpu.yield
      }) : () -> ()
      "tpu.region"() ({
        %run_scoped3A_118 = tpu.sem_alloc : memref<!tpu.dma_semaphore, #tpu.memory_space<semaphore_mem>>
        %dma_start3A_119 = arith.constant 0 : i32
        %dma_start3A_120 = tpu.memref_slice %arg10[%mul3A_59, %dma_start3A_119] : memref<250x40xi32, #tpu.memory_space<vmem>> -> memref<1x40xi32, #tpu.memory_space<vmem>>
        %dma_start3A_121 = tpu.memref_squeeze %dma_start3A_120 : memref<1x40xi32, #tpu.memory_space<vmem>> -> memref<40xi32, #tpu.memory_space<vmem>>
        %dma_start3A_122 = arith.constant 0 : i32
        %dma_start3A_123 = arith.constant 0 : i32
        %dma_start3A_124 = tpu.memref_slice %arg14[%dma_start3A_122, %dma_start3A_123] : memref<10240x16xf32, #tpu.memory_space<vmem_shared>> -> memref<10240x16xf32, #tpu.memory_space<vmem_shared>>
        tpu.enqueue_indirect_dma source(%arg12 : memref<40x16xf32, #tpu.memory_space<vmem>>) target(%dma_start3A_124 : memref<10240x16xf32, #tpu.memory_space<vmem_shared>>) offsets(%dma_start3A_121 : memref<40xi32, #tpu.memory_space<vmem>>) semaphore(%run_scoped3A_118 : memref<!tpu.dma_semaphore, #tpu.memory_space<semaphore_mem>>) {add = true}
        %dma_wait3A_125 = arith.constant 0 : i32
        %dma_wait3A_126 = tpu.memref_slice %arg10[%mul3A_59, %dma_wait3A_125] : memref<250x40xi32, #tpu.memory_space<vmem>> -> memref<1x40xi32, #tpu.memory_space<vmem>>
        %dma_wait3A_127 = tpu.memref_squeeze %dma_wait3A_126 : memref<1x40xi32, #tpu.memory_space<vmem>> -> memref<40xi32, #tpu.memory_space<vmem>>
        %dma_wait3A_128 = arith.constant 0 : i32
        %dma_wait3A_129 = arith.constant 0 : i32
        %dma_wait3A_130 = tpu.memref_slice %arg14[%dma_wait3A_128, %dma_wait3A_129] : memref<10240x16xf32, #tpu.memory_space<vmem_shared>> -> memref<10240x16xf32, #tpu.memory_space<vmem_shared>>
        tpu.wait_indirect_dma semaphore(%run_scoped3A_118 : memref<!tpu.dma_semaphore, #tpu.memory_space<semaphore_mem>>) src(%arg12 : memref<40x16xf32, #tpu.memory_space<vmem>>) dst(%dma_wait3A_130 : memref<10240x16xf32, #tpu.memory_space<vmem_shared>>)
        tpu.yield
      }) : () -> ()
      %add3A_76 = arith.constant 1 : i32
      %add3A_77 = arith.addi %mul3A_59, %add3A_76 : i32
      %dma_wait3A_78 = arith.constant 1 : i32
      %dma_wait3A_79 = arith.constant 0 : i32
      %dma_wait3A_80 = arith.constant 0 : i32
      %dma_wait3A_81 = tpu.memref_slice %arg11[%dma_wait3A_78, %dma_wait3A_79, %dma_wait3A_80] : memref<3x40x128xf32, #tpu.memory_space<vmem>> -> memref<1x40x128xf32, #tpu.memory_space<vmem>>
      %dma_wait3A_82 = tpu.memref_squeeze %dma_wait3A_81 : memref<1x40x128xf32, #tpu.memory_space<vmem>> -> memref<40x128xf32, #tpu.memory_space<vmem>>
      %dma_wait3A_83 = arith.constant 0 : i32
      %dma_wait3A_84 = tpu.memref_slice %arg9[%add3A_77, %dma_wait3A_83] : memref<250x40xi32, #tpu.memory_space<vmem>> -> memref<1x40xi32, #tpu.memory_space<vmem>>
      %dma_wait3A_85 = tpu.memref_squeeze %dma_wait3A_84 : memref<1x40xi32, #tpu.memory_space<vmem>> -> memref<40xi32, #tpu.memory_space<vmem>>
      %dma_wait3A_86 = arith.constant 0 : i32
      %dma_wait3A_87 = arith.constant 0 : i32
      %dma_wait3A_88 = tpu.memref_slice %arg2[%dma_wait3A_86, %dma_wait3A_87] : memref<10240x128xf32, #tpu.memory_space<hbm>> -> memref<10240x128xf32, #tpu.memory_space<hbm>>
      tpu.wait_indirect_dma semaphore(%arg16 : memref<!tpu.dma_semaphore, #tpu.memory_space<semaphore_mem>>) src(%dma_wait3A_88 : memref<10240x128xf32, #tpu.memory_space<hbm>>) dst(%dma_wait3A_82 : memref<40x128xf32, #tpu.memory_space<vmem>>)
      %add3A_89 = arith.constant 2 : i32
      %add3A_90 = arith.addi %add3A_77, %add3A_89 : i32
      %lt3A_91 = arith.constant 250 : i32
      %lt3A_92 = arith.cmpi slt, %add3A_90, %lt3A_91 : i32
      %convert_element_type3A_93 = arith.extui %lt3A_92 : i1 to i32
      %cond3A_94 = arith.constant 0 : i32
      %cond3A_95 = arith.cmpi ne, %convert_element_type3A_93, %cond3A_94 : i32
      scf.if %cond3A_95 {
        %add3A_118 = arith.constant 2 : i32
        %add3A_119 = arith.addi %add3A_77, %add3A_118 : i32
        %dma_start3A_120 = arith.constant 0 : i32
        %dma_start3A_121 = arith.constant 0 : i32
        %dma_start3A_122 = arith.constant 0 : i32
        %dma_start3A_123 = tpu.memref_slice %arg11[%dma_start3A_120, %dma_start3A_121, %dma_start3A_122] : memref<3x40x128xf32, #tpu.memory_space<vmem>> -> memref<1x40x128xf32, #tpu.memory_space<vmem>>
        %dma_start3A_124 = tpu.memref_squeeze %dma_start3A_123 : memref<1x40x128xf32, #tpu.memory_space<vmem>> -> memref<40x128xf32, #tpu.memory_space<vmem>>
        %dma_start3A_125 = arith.constant 0 : i32
        %dma_start3A_126 = tpu.memref_slice %arg9[%add3A_119, %dma_start3A_125] : memref<250x40xi32, #tpu.memory_space<vmem>> -> memref<1x40xi32, #tpu.memory_space<vmem>>
        %dma_start3A_127 = tpu.memref_squeeze %dma_start3A_126 : memref<1x40xi32, #tpu.memory_space<vmem>> -> memref<40xi32, #tpu.memory_space<vmem>>
        %dma_start3A_128 = arith.constant 0 : i32
        %dma_start3A_129 = arith.constant 0 : i32
        %dma_start3A_130 = tpu.memref_slice %arg2[%dma_start3A_128, %dma_start3A_129] : memref<10240x128xf32, #tpu.memory_space<hbm>> -> memref<10240x128xf32, #tpu.memory_space<hbm>>
        tpu.enqueue_indirect_dma source(%dma_start3A_130 : memref<10240x128xf32, #tpu.memory_space<hbm>>) target(%dma_start3A_124 : memref<40x128xf32, #tpu.memory_space<vmem>>) offsets(%dma_start3A_127 : memref<40xi32, #tpu.memory_space<vmem>>) semaphore(%arg15 : memref<!tpu.dma_semaphore, #tpu.memory_space<semaphore_mem>>)
      } else {
      }
      %run_scoped3A_96 = arith.constant 1 : i32
      "tpu.region"() ({
        %run_scoped3A_118 = tpu.sem_alloc : memref<!tpu.dma_semaphore, #tpu.memory_space<semaphore_mem>>
        %dma_start3A_119 = arith.constant 0 : i32
        %dma_start3A_120 = arith.constant 0 : i32
        %dma_start3A_121 = tpu.memref_slice %arg11[%run_scoped3A_96, %dma_start3A_119, %dma_start3A_120] : memref<3x40x128xf32, #tpu.memory_space<vmem>> -> memref<1x40x128xf32, #tpu.memory_space<vmem>>
        %dma_start3A_122 = tpu.memref_squeeze %dma_start3A_121 : memref<1x40x128xf32, #tpu.memory_space<vmem>> -> memref<40x128xf32, #tpu.memory_space<vmem>>
        %dma_start3A_123 = arith.constant 0 : i32
        %dma_start3A_124 = tpu.memref_slice %arg10[%add3A_77, %dma_start3A_123] : memref<250x40xi32, #tpu.memory_space<vmem>> -> memref<1x40xi32, #tpu.memory_space<vmem>>
        %dma_start3A_125 = tpu.memref_squeeze %dma_start3A_124 : memref<1x40xi32, #tpu.memory_space<vmem>> -> memref<40xi32, #tpu.memory_space<vmem>>
        %dma_start3A_126 = arith.constant 0 : i32
        %dma_start3A_127 = arith.constant 0 : i32
        %dma_start3A_128 = tpu.memref_slice %arg13[%dma_start3A_126, %dma_start3A_127] : memref<10240x128xf32, #tpu.memory_space<vmem_shared>> -> memref<10240x128xf32, #tpu.memory_space<vmem_shared>>
        tpu.enqueue_indirect_dma source(%dma_start3A_122 : memref<40x128xf32, #tpu.memory_space<vmem>>) target(%dma_start3A_128 : memref<10240x128xf32, #tpu.memory_space<vmem_shared>>) offsets(%dma_start3A_125 : memref<40xi32, #tpu.memory_space<vmem>>) semaphore(%run_scoped3A_118 : memref<!tpu.dma_semaphore, #tpu.memory_space<semaphore_mem>>) {add = true}
        %dma_wait3A_129 = arith.constant 0 : i32
        %dma_wait3A_130 = arith.constant 0 : i32
        %dma_wait3A_131 = tpu.memref_slice %arg11[%run_scoped3A_96, %dma_wait3A_129, %dma_wait3A_130] : memref<3x40x128xf32, #tpu.memory_space<vmem>> -> memref<1x40x128xf32, #tpu.memory_space<vmem>>
        %dma_wait3A_132 = tpu.memref_squeeze %dma_wait3A_131 : memref<1x40x128xf32, #tpu.memory_space<vmem>> -> memref<40x128xf32, #tpu.memory_space<vmem>>
        %dma_wait3A_133 = arith.constant 0 : i32
        %dma_wait3A_134 = tpu.memref_slice %arg10[%add3A_77, %dma_wait3A_133] : memref<250x40xi32, #tpu.memory_space<vmem>> -> memref<1x40xi32, #tpu.memory_space<vmem>>
        %dma_wait3A_135 = tpu.memref_squeeze %dma_wait3A_134 : memref<1x40xi32, #tpu.memory_space<vmem>> -> memref<40xi32, #tpu.memory_space<vmem>>
        %dma_wait3A_136 = arith.constant 0 : i32
        %dma_wait3A_137 = arith.constant 0 : i32
        %dma_wait3A_138 = tpu.memref_slice %arg13[%dma_wait3A_136, %dma_wait3A_137] : memref<10240x128xf32, #tpu.memory_space<vmem_shared>> -> memref<10240x128xf32, #tpu.memory_space<vmem_shared>>
        tpu.wait_indirect_dma semaphore(%run_scoped3A_118 : memref<!tpu.dma_semaphore, #tpu.memory_space<semaphore_mem>>) src(%dma_wait3A_132 : memref<40x128xf32, #tpu.memory_space<vmem>>) dst(%dma_wait3A_138 : memref<10240x128xf32, #tpu.memory_space<vmem_shared>>)
        tpu.yield
      }) : () -> ()
      "tpu.region"() ({
        %run_scoped3A_118 = tpu.sem_alloc : memref<!tpu.dma_semaphore, #tpu.memory_space<semaphore_mem>>
        %dma_start3A_119 = arith.constant 0 : i32
        %dma_start3A_120 = tpu.memref_slice %arg10[%add3A_77, %dma_start3A_119] : memref<250x40xi32, #tpu.memory_space<vmem>> -> memref<1x40xi32, #tpu.memory_space<vmem>>
        %dma_start3A_121 = tpu.memref_squeeze %dma_start3A_120 : memref<1x40xi32, #tpu.memory_space<vmem>> -> memref<40xi32, #tpu.memory_space<vmem>>
        %dma_start3A_122 = arith.constant 0 : i32
        %dma_start3A_123 = arith.constant 0 : i32
        %dma_start3A_124 = tpu.memref_slice %arg14[%dma_start3A_122, %dma_start3A_123] : memref<10240x16xf32, #tpu.memory_space<vmem_shared>> -> memref<10240x16xf32, #tpu.memory_space<vmem_shared>>
        tpu.enqueue_indirect_dma source(%arg12 : memref<40x16xf32, #tpu.memory_space<vmem>>) target(%dma_start3A_124 : memref<10240x16xf32, #tpu.memory_space<vmem_shared>>) offsets(%dma_start3A_121 : memref<40xi32, #tpu.memory_space<vmem>>) semaphore(%run_scoped3A_118 : memref<!tpu.dma_semaphore, #tpu.memory_space<semaphore_mem>>) {add = true}
        %dma_wait3A_125 = arith.constant 0 : i32
        %dma_wait3A_126 = tpu.memref_slice %arg10[%add3A_77, %dma_wait3A_125] : memref<250x40xi32, #tpu.memory_space<vmem>> -> memref<1x40xi32, #tpu.memory_space<vmem>>
        %dma_wait3A_127 = tpu.memref_squeeze %dma_wait3A_126 : memref<1x40xi32, #tpu.memory_space<vmem>> -> memref<40xi32, #tpu.memory_space<vmem>>
        %dma_wait3A_128 = arith.constant 0 : i32
        %dma_wait3A_129 = arith.constant 0 : i32
        %dma_wait3A_130 = tpu.memref_slice %arg14[%dma_wait3A_128, %dma_wait3A_129] : memref<10240x16xf32, #tpu.memory_space<vmem_shared>> -> memref<10240x16xf32, #tpu.memory_space<vmem_shared>>
        tpu.wait_indirect_dma semaphore(%run_scoped3A_118 : memref<!tpu.dma_semaphore, #tpu.memory_space<semaphore_mem>>) src(%arg12 : memref<40x16xf32, #tpu.memory_space<vmem>>) dst(%dma_wait3A_130 : memref<10240x16xf32, #tpu.memory_space<vmem_shared>>)
        tpu.yield
      }) : () -> ()
      %add3A_97 = arith.constant 2 : i32
      %add3A_98 = arith.addi %mul3A_59, %add3A_97 : i32
      %dma_wait3A_99 = arith.constant 2 : i32
      %dma_wait3A_100 = arith.constant 0 : i32
      %dma_wait3A_101 = arith.constant 0 : i32
      %dma_wait3A_102 = tpu.memref_slice %arg11[%dma_wait3A_99, %dma_wait3A_100, %dma_wait3A_101] : memref<3x40x128xf32, #tpu.memory_space<vmem>> -> memref<1x40x128xf32, #tpu.memory_space<vmem>>
      %dma_wait3A_103 = tpu.memref_squeeze %dma_wait3A_102 : memref<1x40x128xf32, #tpu.memory_space<vmem>> -> memref<40x128xf32, #tpu.memory_space<vmem>>
      %dma_wait3A_104 = arith.constant 0 : i32
      %dma_wait3A_105 = tpu.memref_slice %arg9[%add3A_98, %dma_wait3A_104] : memref<250x40xi32, #tpu.memory_space<vmem>> -> memref<1x40xi32, #tpu.memory_space<vmem>>
      %dma_wait3A_106 = tpu.memref_squeeze %dma_wait3A_105 : memref<1x40xi32, #tpu.memory_space<vmem>> -> memref<40xi32, #tpu.memory_space<vmem>>
      %dma_wait3A_107 = arith.constant 0 : i32
      %dma_wait3A_108 = arith.constant 0 : i32
      %dma_wait3A_109 = tpu.memref_slice %arg2[%dma_wait3A_107, %dma_wait3A_108] : memref<10240x128xf32, #tpu.memory_space<hbm>> -> memref<10240x128xf32, #tpu.memory_space<hbm>>
      tpu.wait_indirect_dma semaphore(%arg17 : memref<!tpu.dma_semaphore, #tpu.memory_space<semaphore_mem>>) src(%dma_wait3A_109 : memref<10240x128xf32, #tpu.memory_space<hbm>>) dst(%dma_wait3A_103 : memref<40x128xf32, #tpu.memory_space<vmem>>)
      %add3A_110 = arith.constant 2 : i32
      %add3A_111 = arith.addi %add3A_98, %add3A_110 : i32
      %lt3A_112 = arith.constant 250 : i32
      %lt3A_113 = arith.cmpi slt, %add3A_111, %lt3A_112 : i32
      %convert_element_type3A_114 = arith.extui %lt3A_113 : i1 to i32
      %cond3A_115 = arith.constant 0 : i32
      %cond3A_116 = arith.cmpi ne, %convert_element_type3A_114, %cond3A_115 : i32
      scf.if %cond3A_116 {
        %add3A_118 = arith.constant 2 : i32
        %add3A_119 = arith.addi %add3A_98, %add3A_118 : i32
        %dma_start3A_120 = arith.constant 1 : i32
        %dma_start3A_121 = arith.constant 0 : i32
        %dma_start3A_122 = arith.constant 0 : i32
        %dma_start3A_123 = tpu.memref_slice %arg11[%dma_start3A_120, %dma_start3A_121, %dma_start3A_122] : memref<3x40x128xf32, #tpu.memory_space<vmem>> -> memref<1x40x128xf32, #tpu.memory_space<vmem>>
        %dma_start3A_124 = tpu.memref_squeeze %dma_start3A_123 : memref<1x40x128xf32, #tpu.memory_space<vmem>> -> memref<40x128xf32, #tpu.memory_space<vmem>>
        %dma_start3A_125 = arith.constant 0 : i32
        %dma_start3A_126 = tpu.memref_slice %arg9[%add3A_119, %dma_start3A_125] : memref<250x40xi32, #tpu.memory_space<vmem>> -> memref<1x40xi32, #tpu.memory_space<vmem>>
        %dma_start3A_127 = tpu.memref_squeeze %dma_start3A_126 : memref<1x40xi32, #tpu.memory_space<vmem>> -> memref<40xi32, #tpu.memory_space<vmem>>
        %dma_start3A_128 = arith.constant 0 : i32
        %dma_start3A_129 = arith.constant 0 : i32
        %dma_start3A_130 = tpu.memref_slice %arg2[%dma_start3A_128, %dma_start3A_129] : memref<10240x128xf32, #tpu.memory_space<hbm>> -> memref<10240x128xf32, #tpu.memory_space<hbm>>
        tpu.enqueue_indirect_dma source(%dma_start3A_130 : memref<10240x128xf32, #tpu.memory_space<hbm>>) target(%dma_start3A_124 : memref<40x128xf32, #tpu.memory_space<vmem>>) offsets(%dma_start3A_127 : memref<40xi32, #tpu.memory_space<vmem>>) semaphore(%arg16 : memref<!tpu.dma_semaphore, #tpu.memory_space<semaphore_mem>>)
      } else {
      }
      %run_scoped3A_117 = arith.constant 2 : i32
      "tpu.region"() ({
        %run_scoped3A_118 = tpu.sem_alloc : memref<!tpu.dma_semaphore, #tpu.memory_space<semaphore_mem>>
        %dma_start3A_119 = arith.constant 0 : i32
        %dma_start3A_120 = arith.constant 0 : i32
        %dma_start3A_121 = tpu.memref_slice %arg11[%run_scoped3A_117, %dma_start3A_119, %dma_start3A_120] : memref<3x40x128xf32, #tpu.memory_space<vmem>> -> memref<1x40x128xf32, #tpu.memory_space<vmem>>
        %dma_start3A_122 = tpu.memref_squeeze %dma_start3A_121 : memref<1x40x128xf32, #tpu.memory_space<vmem>> -> memref<40x128xf32, #tpu.memory_space<vmem>>
        %dma_start3A_123 = arith.constant 0 : i32
        %dma_start3A_124 = tpu.memref_slice %arg10[%add3A_98, %dma_start3A_123] : memref<250x40xi32, #tpu.memory_space<vmem>> -> memref<1x40xi32, #tpu.memory_space<vmem>>
        %dma_start3A_125 = tpu.memref_squeeze %dma_start3A_124 : memref<1x40xi32, #tpu.memory_space<vmem>> -> memref<40xi32, #tpu.memory_space<vmem>>
        %dma_start3A_126 = arith.constant 0 : i32
        %dma_start3A_127 = arith.constant 0 : i32
        %dma_start3A_128 = tpu.memref_slice %arg13[%dma_start3A_126, %dma_start3A_127] : memref<10240x128xf32, #tpu.memory_space<vmem_shared>> -> memref<10240x128xf32, #tpu.memory_space<vmem_shared>>
        tpu.enqueue_indirect_dma source(%dma_start3A_122 : memref<40x128xf32, #tpu.memory_space<vmem>>) target(%dma_start3A_128 : memref<10240x128xf32, #tpu.memory_space<vmem_shared>>) offsets(%dma_start3A_125 : memref<40xi32, #tpu.memory_space<vmem>>) semaphore(%run_scoped3A_118 : memref<!tpu.dma_semaphore, #tpu.memory_space<semaphore_mem>>) {add = true}
        %dma_wait3A_129 = arith.constant 0 : i32
        %dma_wait3A_130 = arith.constant 0 : i32
        %dma_wait3A_131 = tpu.memref_slice %arg11[%run_scoped3A_117, %dma_wait3A_129, %dma_wait3A_130] : memref<3x40x128xf32, #tpu.memory_space<vmem>> -> memref<1x40x128xf32, #tpu.memory_space<vmem>>
        %dma_wait3A_132 = tpu.memref_squeeze %dma_wait3A_131 : memref<1x40x128xf32, #tpu.memory_space<vmem>> -> memref<40x128xf32, #tpu.memory_space<vmem>>
        %dma_wait3A_133 = arith.constant 0 : i32
        %dma_wait3A_134 = tpu.memref_slice %arg10[%add3A_98, %dma_wait3A_133] : memref<250x40xi32, #tpu.memory_space<vmem>> -> memref<1x40xi32, #tpu.memory_space<vmem>>
        %dma_wait3A_135 = tpu.memref_squeeze %dma_wait3A_134 : memref<1x40xi32, #tpu.memory_space<vmem>> -> memref<40xi32, #tpu.memory_space<vmem>>
        %dma_wait3A_136 = arith.constant 0 : i32
        %dma_wait3A_137 = arith.constant 0 : i32
        %dma_wait3A_138 = tpu.memref_slice %arg13[%dma_wait3A_136, %dma_wait3A_137] : memref<10240x128xf32, #tpu.memory_space<vmem_shared>> -> memref<10240x128xf32, #tpu.memory_space<vmem_shared>>
        tpu.wait_indirect_dma semaphore(%run_scoped3A_118 : memref<!tpu.dma_semaphore, #tpu.memory_space<semaphore_mem>>) src(%dma_wait3A_132 : memref<40x128xf32, #tpu.memory_space<vmem>>) dst(%dma_wait3A_138 : memref<10240x128xf32, #tpu.memory_space<vmem_shared>>)
        tpu.yield
      }) : () -> ()
      "tpu.region"() ({
        %run_scoped3A_118 = tpu.sem_alloc : memref<!tpu.dma_semaphore, #tpu.memory_space<semaphore_mem>>
        %dma_start3A_119 = arith.constant 0 : i32
        %dma_start3A_120 = tpu.memref_slice %arg10[%add3A_98, %dma_start3A_119] : memref<250x40xi32, #tpu.memory_space<vmem>> -> memref<1x40xi32, #tpu.memory_space<vmem>>
        %dma_start3A_121 = tpu.memref_squeeze %dma_start3A_120 : memref<1x40xi32, #tpu.memory_space<vmem>> -> memref<40xi32, #tpu.memory_space<vmem>>
        %dma_start3A_122 = arith.constant 0 : i32
        %dma_start3A_123 = arith.constant 0 : i32
        %dma_start3A_124 = tpu.memref_slice %arg14[%dma_start3A_122, %dma_start3A_123] : memref<10240x16xf32, #tpu.memory_space<vmem_shared>> -> memref<10240x16xf32, #tpu.memory_space<vmem_shared>>
        tpu.enqueue_indirect_dma source(%arg12 : memref<40x16xf32, #tpu.memory_space<vmem>>) target(%dma_start3A_124 : memref<10240x16xf32, #tpu.memory_space<vmem_shared>>) offsets(%dma_start3A_121 : memref<40xi32, #tpu.memory_space<vmem>>) semaphore(%run_scoped3A_118 : memref<!tpu.dma_semaphore, #tpu.memory_space<semaphore_mem>>) {add = true}
        %dma_wait3A_125 = arith.constant 0 : i32
        %dma_wait3A_126 = tpu.memref_slice %arg10[%add3A_98, %dma_wait3A_125] : memref<250x40xi32, #tpu.memory_space<vmem>> -> memref<1x40xi32, #tpu.memory_space<vmem>>
        %dma_wait3A_127 = tpu.memref_squeeze %dma_wait3A_126 : memref<1x40xi32, #tpu.memory_space<vmem>> -> memref<40xi32, #tpu.memory_space<vmem>>
        %dma_wait3A_128 = arith.constant 0 : i32
        %dma_wait3A_129 = arith.constant 0 : i32
        %dma_wait3A_130 = tpu.memref_slice %arg14[%dma_wait3A_128, %dma_wait3A_129] : memref<10240x16xf32, #tpu.memory_space<vmem_shared>> -> memref<10240x16xf32, #tpu.memory_space<vmem_shared>>
        tpu.wait_indirect_dma semaphore(%run_scoped3A_118 : memref<!tpu.dma_semaphore, #tpu.memory_space<semaphore_mem>>) src(%arg12 : memref<40x16xf32, #tpu.memory_space<vmem>>) dst(%dma_wait3A_130 : memref<10240x16xf32, #tpu.memory_space<vmem_shared>>)
        tpu.yield
      }) : () -> ()
    }
    %scan3A_38 = arith.constant 83 : i32
    %dma_wait3A = arith.constant 249 : i32
    %dma_wait3A_39 = arith.constant 0 : i32
    %dma_wait3A_40 = arith.constant 0 : i32
    %dma_wait3A_41 = arith.constant 0 : i32
    %dma_wait3A_42 = tpu.memref_slice %arg11[%dma_wait3A_39, %dma_wait3A_40, %dma_wait3A_41] : memref<3x40x128xf32, #tpu.memory_space<vmem>> -> memref<1x40x128xf32, #tpu.memory_space<vmem>>
    %dma_wait3A_43 = tpu.memref_squeeze %dma_wait3A_42 : memref<1x40x128xf32, #tpu.memory_space<vmem>> -> memref<40x128xf32, #tpu.memory_space<vmem>>
    %dma_wait3A_44 = arith.constant 0 : i32
    %dma_wait3A_45 = tpu.memref_slice %arg9[%dma_wait3A, %dma_wait3A_44] : memref<250x40xi32, #tpu.memory_space<vmem>> -> memref<1x40xi32, #tpu.memory_space<vmem>>
    %dma_wait3A_46 = tpu.memref_squeeze %dma_wait3A_45 : memref<1x40xi32, #tpu.memory_space<vmem>> -> memref<40xi32, #tpu.memory_space<vmem>>
    %dma_wait3A_47 = arith.constant 0 : i32
    %dma_wait3A_48 = arith.constant 0 : i32
    %dma_wait3A_49 = tpu.memref_slice %arg2[%dma_wait3A_47, %dma_wait3A_48] : memref<10240x128xf32, #tpu.memory_space<hbm>> -> memref<10240x128xf32, #tpu.memory_space<hbm>>
    tpu.wait_indirect_dma semaphore(%arg15 : memref<!tpu.dma_semaphore, #tpu.memory_space<semaphore_mem>>) src(%dma_wait3A_49 : memref<10240x128xf32, #tpu.memory_space<hbm>>) dst(%dma_wait3A_43 : memref<40x128xf32, #tpu.memory_space<vmem>>)
    %run_scoped3A = arith.constant 0 : i32
    %run_scoped3A_50 = arith.constant 249 : i32
    "tpu.region"() ({
      %run_scoped3A_57 = tpu.sem_alloc : memref<!tpu.dma_semaphore, #tpu.memory_space<semaphore_mem>>
      %dma_start3A_58 = arith.constant 0 : i32
      %dma_start3A_59 = arith.constant 0 : i32
      %dma_start3A_60 = tpu.memref_slice %arg11[%run_scoped3A, %dma_start3A_58, %dma_start3A_59] : memref<3x40x128xf32, #tpu.memory_space<vmem>> -> memref<1x40x128xf32, #tpu.memory_space<vmem>>
      %dma_start3A_61 = tpu.memref_squeeze %dma_start3A_60 : memref<1x40x128xf32, #tpu.memory_space<vmem>> -> memref<40x128xf32, #tpu.memory_space<vmem>>
      %dma_start3A_62 = arith.constant 0 : i32
      %dma_start3A_63 = tpu.memref_slice %arg10[%run_scoped3A_50, %dma_start3A_62] : memref<250x40xi32, #tpu.memory_space<vmem>> -> memref<1x40xi32, #tpu.memory_space<vmem>>
      %dma_start3A_64 = tpu.memref_squeeze %dma_start3A_63 : memref<1x40xi32, #tpu.memory_space<vmem>> -> memref<40xi32, #tpu.memory_space<vmem>>
      %dma_start3A_65 = arith.constant 0 : i32
      %dma_start3A_66 = arith.constant 0 : i32
      %dma_start3A_67 = tpu.memref_slice %arg13[%dma_start3A_65, %dma_start3A_66] : memref<10240x128xf32, #tpu.memory_space<vmem_shared>> -> memref<10240x128xf32, #tpu.memory_space<vmem_shared>>
      tpu.enqueue_indirect_dma source(%dma_start3A_61 : memref<40x128xf32, #tpu.memory_space<vmem>>) target(%dma_start3A_67 : memref<10240x128xf32, #tpu.memory_space<vmem_shared>>) offsets(%dma_start3A_64 : memref<40xi32, #tpu.memory_space<vmem>>) semaphore(%run_scoped3A_57 : memref<!tpu.dma_semaphore, #tpu.memory_space<semaphore_mem>>) {add = true}
      %dma_wait3A_68 = arith.constant 0 : i32
      %dma_wait3A_69 = arith.constant 0 : i32
      %dma_wait3A_70 = tpu.memref_slice %arg11[%run_scoped3A, %dma_wait3A_68, %dma_wait3A_69] : memref<3x40x128xf32, #tpu.memory_space<vmem>> -> memref<1x40x128xf32, #tpu.memory_space<vmem>>
      %dma_wait3A_71 = tpu.memref_squeeze %dma_wait3A_70 : memref<1x40x128xf32, #tpu.memory_space<vmem>> -> memref<40x128xf32, #tpu.memory_space<vmem>>
      %dma_wait3A_72 = arith.constant 0 : i32
      %dma_wait3A_73 = tpu.memref_slice %arg10[%run_scoped3A_50, %dma_wait3A_72] : memref<250x40xi32, #tpu.memory_space<vmem>> -> memref<1x40xi32, #tpu.memory_space<vmem>>
      %dma_wait3A_74 = tpu.memref_squeeze %dma_wait3A_73 : memref<1x40xi32, #tpu.memory_space<vmem>> -> memref<40xi32, #tpu.memory_space<vmem>>
      %dma_wait3A_75 = arith.constant 0 : i32
      %dma_wait3A_76 = arith.constant 0 : i32
      %dma_wait3A_77 = tpu.memref_slice %arg13[%dma_wait3A_75, %dma_wait3A_76] : memref<10240x128xf32, #tpu.memory_space<vmem_shared>> -> memref<10240x128xf32, #tpu.memory_space<vmem_shared>>
      tpu.wait_indirect_dma semaphore(%run_scoped3A_57 : memref<!tpu.dma_semaphore, #tpu.memory_space<semaphore_mem>>) src(%dma_wait3A_71 : memref<40x128xf32, #tpu.memory_space<vmem>>) dst(%dma_wait3A_77 : memref<10240x128xf32, #tpu.memory_space<vmem_shared>>)
      tpu.yield
    }) : () -> ()
    %run_scoped3A_51 = arith.constant 249 : i32
    "tpu.region"() ({
      %run_scoped3A_57 = tpu.sem_alloc : memref<!tpu.dma_semaphore, #tpu.memory_space<semaphore_mem>>
      %dma_start3A_58 = arith.constant 0 : i32
      %dma_start3A_59 = tpu.memref_slice %arg10[%run_scoped3A_51, %dma_start3A_58] : memref<250x40xi32, #tpu.memory_space<vmem>> -> memref<1x40xi32, #tpu.memory_space<vmem>>
      %dma_start3A_60 = tpu.memref_squeeze %dma_start3A_59 : memref<1x40xi32, #tpu.memory_space<vmem>> -> memref<40xi32, #tpu.memory_space<vmem>>
      %dma_start3A_61 = arith.constant 0 : i32
      %dma_start3A_62 = arith.constant 0 : i32
      %dma_start3A_63 = tpu.memref_slice %arg14[%dma_start3A_61, %dma_start3A_62] : memref<10240x16xf32, #tpu.memory_space<vmem_shared>> -> memref<10240x16xf32, #tpu.memory_space<vmem_shared>>
      tpu.enqueue_indirect_dma source(%arg12 : memref<40x16xf32, #tpu.memory_space<vmem>>) target(%dma_start3A_63 : memref<10240x16xf32, #tpu.memory_space<vmem_shared>>) offsets(%dma_start3A_60 : memref<40xi32, #tpu.memory_space<vmem>>) semaphore(%run_scoped3A_57 : memref<!tpu.dma_semaphore, #tpu.memory_space<semaphore_mem>>) {add = true}
      %dma_wait3A_64 = arith.constant 0 : i32
      %dma_wait3A_65 = tpu.memref_slice %arg10[%run_scoped3A_51, %dma_wait3A_64] : memref<250x40xi32, #tpu.memory_space<vmem>> -> memref<1x40xi32, #tpu.memory_space<vmem>>
      %dma_wait3A_66 = tpu.memref_squeeze %dma_wait3A_65 : memref<1x40xi32, #tpu.memory_space<vmem>> -> memref<40xi32, #tpu.memory_space<vmem>>
      %dma_wait3A_67 = arith.constant 0 : i32
      %dma_wait3A_68 = arith.constant 0 : i32
      %dma_wait3A_69 = tpu.memref_slice %arg14[%dma_wait3A_67, %dma_wait3A_68] : memref<10240x16xf32, #tpu.memory_space<vmem_shared>> -> memref<10240x16xf32, #tpu.memory_space<vmem_shared>>
      tpu.wait_indirect_dma semaphore(%run_scoped3A_57 : memref<!tpu.dma_semaphore, #tpu.memory_space<semaphore_mem>>) src(%arg12 : memref<40x16xf32, #tpu.memory_space<vmem>>) dst(%dma_wait3A_69 : memref<10240x16xf32, #tpu.memory_space<vmem_shared>>)
      tpu.yield
    }) : () -> ()
    %barrier3A_52 = arith.constant 0 : index
    tpu.barrier barrier_id(%barrier3A_52)
    %mul3A_53 = arith.constant 10240 : i32
    %mul3A_54 = arith.muli %arg0, %mul3A_53 : i32
    %mul3A_55 = arith.constant 640 : i32
    %mul3A_56 = arith.muli %arg1, %mul3A_55 : i32
    %add3A = arith.addi %mul3A_54, %mul3A_56 : i32
    "tpu.region"() ({
      %run_scoped3A_57 = tpu.sem_alloc : memref<!tpu.dma_semaphore, #tpu.memory_space<semaphore_mem>>
      %dma_start3A_58 = arith.constant 0 : i32
      %dma_start3A_59 = tpu.memref_slice %arg7[%add3A, %dma_start3A_58] : memref<20480x128xf32, #tpu.memory_space<hbm>> -> memref<640x128xf32, #tpu.memory_space<hbm>>
      %dma_start3A_60 = arith.constant 0 : i32
      %dma_start3A_61 = tpu.memref_slice %arg13[%mul3A_0, %dma_start3A_60] : memref<10240x128xf32, #tpu.memory_space<vmem_shared>> -> memref<640x128xf32, #tpu.memory_space<vmem_shared>>
      tpu.enqueue_dma source(%dma_start3A_61 : memref<640x128xf32, #tpu.memory_space<vmem_shared>>) target(%dma_start3A_59 : memref<640x128xf32, #tpu.memory_space<hbm>>) target_semaphore(%run_scoped3A_57 : memref<!tpu.dma_semaphore, #tpu.memory_space<semaphore_mem>>)
      %dma_wait3A_62 = arith.constant 0 : i32
      %dma_wait3A_63 = tpu.memref_slice %arg7[%add3A, %dma_wait3A_62] : memref<20480x128xf32, #tpu.memory_space<hbm>> -> memref<640x128xf32, #tpu.memory_space<hbm>>
      %dma_wait3A_64 = arith.constant 0 : i32
      %dma_wait3A_65 = tpu.memref_slice %arg13[%mul3A_0, %dma_wait3A_64] : memref<10240x128xf32, #tpu.memory_space<vmem_shared>> -> memref<640x128xf32, #tpu.memory_space<vmem_shared>>
      tpu.wait_dma2 semaphore(%run_scoped3A_57 : memref<!tpu.dma_semaphore, #tpu.memory_space<semaphore_mem>>) src(%dma_wait3A_65 : memref<640x128xf32, #tpu.memory_space<vmem_shared>>) dst(%dma_wait3A_63 : memref<640x128xf32, #tpu.memory_space<hbm>>)
      tpu.yield
    }) : () -> ()
    "tpu.region"() ({
      %run_scoped3A_57 = tpu.sem_alloc : memref<!tpu.dma_semaphore, #tpu.memory_space<semaphore_mem>>
      %dma_start3A_58 = arith.constant 0 : i32
      %dma_start3A_59 = tpu.memref_slice %arg8[%add3A, %dma_start3A_58] : memref<20480x16xf32, #tpu.memory_space<hbm>> -> memref<640x16xf32, #tpu.memory_space<hbm>>
      %dma_start3A_60 = arith.constant 0 : i32
      %dma_start3A_61 = tpu.memref_slice %arg14[%mul3A_0, %dma_start3A_60] : memref<10240x16xf32, #tpu.memory_space<vmem_shared>> -> memref<640x16xf32, #tpu.memory_space<vmem_shared>>
      tpu.enqueue_dma source(%dma_start3A_61 : memref<640x16xf32, #tpu.memory_space<vmem_shared>>) target(%dma_start3A_59 : memref<640x16xf32, #tpu.memory_space<hbm>>) target_semaphore(%run_scoped3A_57 : memref<!tpu.dma_semaphore, #tpu.memory_space<semaphore_mem>>)
      %dma_wait3A_62 = arith.constant 0 : i32
      %dma_wait3A_63 = tpu.memref_slice %arg8[%add3A, %dma_wait3A_62] : memref<20480x16xf32, #tpu.memory_space<hbm>> -> memref<640x16xf32, #tpu.memory_space<hbm>>
      %dma_wait3A_64 = arith.constant 0 : i32
      %dma_wait3A_65 = tpu.memref_slice %arg14[%mul3A_0, %dma_wait3A_64] : memref<10240x16xf32, #tpu.memory_space<vmem_shared>> -> memref<640x16xf32, #tpu.memory_space<vmem_shared>>
      tpu.wait_dma2 semaphore(%run_scoped3A_57 : memref<!tpu.dma_semaphore, #tpu.memory_space<semaphore_mem>>) src(%dma_wait3A_65 : memref<640x16xf32, #tpu.memory_space<vmem_shared>>) dst(%dma_wait3A_63 : memref<640x16xf32, #tpu.memory_space<hbm>>)
      tpu.yield
    }) : () -> ()
    return
  }
}

module attributes {stable_mosaic.version = 14 : i64} {
  func.func @_proj_body(%arg0: i32, %arg1: memref<1024x128xf32, #tpu.memory_space<vmem>>, %arg2: memref<256x128xf32, #tpu.memory_space<vmem>>, %arg3: memref<1x256xf32, #tpu.memory_space<vmem>>, %arg4: memref<128x256xf32, #tpu.memory_space<vmem>>, %arg5: memref<128x256xf32, #tpu.memory_space<vmem>>, %arg6: memref<1x128xf32, #tpu.memory_space<vmem>>, %arg7: memref<1024x128xf32, #tpu.memory_space<vmem>>, %arg8: memref<1024x128xf32, #tpu.memory_space<vmem>>) attributes {dimension_semantics = [#tpu.dimension_semantics<arbitrary>], iteration_bounds = array<i64: 10>, scalar_prefetch = 0 : i64, scratch_operands = 0 : i64, tpu.core_type = #tpu.core_type<tc>, window_params = [{transform_indices = @transform_0, window_bounds = array<i64: 1024, 128>}, {pipeline_mode = #tpu.pipeline_mode<synchronous>, transform_indices = @transform_1, window_bounds = array<i64: 256, 128>}, {pipeline_mode = #tpu.pipeline_mode<synchronous>, transform_indices = @transform_2, window_bounds = array<i64: 1, 256>}, {pipeline_mode = #tpu.pipeline_mode<synchronous>, transform_indices = @transform_3, window_bounds = array<i64: 128, 256>}, {pipeline_mode = #tpu.pipeline_mode<synchronous>, transform_indices = @transform_4, window_bounds = array<i64: 128, 256>}, {pipeline_mode = #tpu.pipeline_mode<synchronous>, transform_indices = @transform_5, window_bounds = array<i64: 1, 128>}, {transform_indices = @transform_6, window_bounds = array<i64: 1024, 128>}, {transform_indices = @transform_7, window_bounds = array<i64: 1024, 128>}]} {
    %get3A = arith.constant 0 : index
    %get3A_0 = arith.constant 0 : index
    %get3A_1 = vector.load %arg1[%get3A, %get3A_0] : memref<1024x128xf32, #tpu.memory_space<vmem>>, vector<1024x128xf32>
    %get3A_2 = arith.constant 0 : index
    %get3A_3 = arith.constant 0 : index
    %get3A_4 = vector.load %arg2[%get3A_2, %get3A_3] : memref<256x128xf32, #tpu.memory_space<vmem>>, vector<256x128xf32>
    %dot_general3A = arith.constant dense<0.000000e+00> : vector<1024x256xf32>
    %dot_general3A_5 = tpu.matmul %get3A_1, %get3A_4, %dot_general3A {dimension_numbers = #tpu.dot_dimension_numbers<[1], [1], [0], [0], [0, 0, 1, 0], [], []>, transpose_lhs_hint = false} : vector<1024x128xf32>, vector<256x128xf32>, vector<1024x256xf32> -> vector<1024x256xf32>
    %get3A_6 = arith.constant 0 : index
    %get3A_7 = arith.constant 0 : index
    %get3A_8 = vector.load %arg3[%get3A_6, %get3A_7] : memref<1x256xf32, #tpu.memory_space<vmem>>, vector<1x256xf32>
    %add3A = vector.broadcast %get3A_8 : vector<1x256xf32> to vector<1024x256xf32>
    %add3A_9 = arith.addf %dot_general3A_5, %add3A : vector<1024x256xf32>
    %max3A = arith.constant 0.000000e+00 : f32
    %max3A_10 = vector.broadcast %max3A : f32 to vector<1024x256xf32>
    %max3A_11 = arith.maximumf %add3A_9, %max3A_10 : vector<1024x256xf32>
    %get3A_12 = arith.constant 0 : index
    %get3A_13 = arith.constant 0 : index
    %get3A_14 = vector.load %arg4[%get3A_12, %get3A_13] : memref<128x256xf32, #tpu.memory_space<vmem>>, vector<128x256xf32>
    %dot_general3A_15 = arith.constant dense<0.000000e+00> : vector<1024x128xf32>
    %dot_general3A_16 = tpu.matmul %max3A_11, %get3A_14, %dot_general3A_15 {dimension_numbers = #tpu.dot_dimension_numbers<[1], [1], [0], [0], [0, 0, 1, 0], [], []>, transpose_lhs_hint = false} : vector<1024x256xf32>, vector<128x256xf32>, vector<1024x128xf32> -> vector<1024x128xf32>
    %swap3A = arith.constant 0 : index
    %swap3A_17 = arith.constant 0 : index
    %swap3A_18 = vector.load %arg7[%swap3A, %swap3A_17] : memref<1024x128xf32, #tpu.memory_space<vmem>>, vector<1024x128xf32>
    tpu.vector_store %arg7[%swap3A, %swap3A_17], %dot_general3A_16 {strides = array<i32>} : memref<1024x128xf32, #tpu.memory_space<vmem>>, vector<1024x128xf32>,
    %get3A_19 = arith.constant 0 : index
    %get3A_20 = arith.constant 0 : index
    %get3A_21 = vector.load %arg5[%get3A_19, %get3A_20] : memref<128x256xf32, #tpu.memory_space<vmem>>, vector<128x256xf32>
    %dot_general3A_22 = arith.constant dense<0.000000e+00> : vector<1024x128xf32>
    %dot_general3A_23 = tpu.matmul %max3A_11, %get3A_21, %dot_general3A_22 {dimension_numbers = #tpu.dot_dimension_numbers<[1], [1], [0], [0], [0, 0, 1, 0], [], []>, transpose_lhs_hint = false} : vector<1024x256xf32>, vector<128x256xf32>, vector<1024x128xf32> -> vector<1024x128xf32>
    %get3A_24 = arith.constant 0 : index
    %get3A_25 = arith.constant 0 : index
    %get3A_26 = vector.load %arg6[%get3A_24, %get3A_25] : memref<1x128xf32, #tpu.memory_space<vmem>>, vector<1x128xf32>
    %add3A_27 = vector.broadcast %get3A_26 : vector<1x128xf32> to vector<1024x128xf32>
    %add3A_28 = arith.addf %dot_general3A_23, %add3A_27 : vector<1024x128xf32>
    %swap3A_29 = arith.constant 0 : index
    %swap3A_30 = arith.constant 0 : index
    %swap3A_31 = vector.load %arg8[%swap3A_29, %swap3A_30] : memref<1024x128xf32, #tpu.memory_space<vmem>>, vector<1024x128xf32>
    tpu.vector_store %arg8[%swap3A_29, %swap3A_30], %add3A_28 {strides = array<i32>} : memref<1024x128xf32, #tpu.memory_space<vmem>>, vector<1024x128xf32>,
    return
  }
  func.func @transform_0(%arg0: i32) -> (i32, i32) {
    %c0_i32 = arith.constant 0 : i32
    %c0_i32_0 = arith.constant 0 : i32
    return %arg0, %c0_i32 : i32, i32
  }
  func.func @transform_1(%arg0: i32) -> (i32, i32) {
    %c0_i32 = arith.constant 0 : i32
    %c0_i32_0 = arith.constant 0 : i32
    %c0_i32_1 = arith.constant 0 : i32
    return %c0_i32, %c0_i32_0 : i32, i32
  }
  func.func @transform_2(%arg0: i32) -> (i32, i32) {
    %c0_i32 = arith.constant 0 : i32
    %c0_i32_0 = arith.constant 0 : i32
    %c0_i32_1 = arith.constant 0 : i32
    return %c0_i32, %c0_i32_0 : i32, i32
  }
  func.func @transform_3(%arg0: i32) -> (i32, i32) {
    %c0_i32 = arith.constant 0 : i32
    %c0_i32_0 = arith.constant 0 : i32
    %c0_i32_1 = arith.constant 0 : i32
    return %c0_i32, %c0_i32_0 : i32, i32
  }
  func.func @transform_4(%arg0: i32) -> (i32, i32) {
    %c0_i32 = arith.constant 0 : i32
    %c0_i32_0 = arith.constant 0 : i32
    %c0_i32_1 = arith.constant 0 : i32
    return %c0_i32, %c0_i32_0 : i32, i32
  }
  func.func @transform_5(%arg0: i32) -> (i32, i32) {
    %c0_i32 = arith.constant 0 : i32
    %c0_i32_0 = arith.constant 0 : i32
    %c0_i32_1 = arith.constant 0 : i32
    return %c0_i32, %c0_i32_0 : i32, i32
  }
  func.func @transform_6(%arg0: i32) -> (i32, i32) {
    %c0_i32 = arith.constant 0 : i32
    %c0_i32_0 = arith.constant 0 : i32
    return %arg0, %c0_i32 : i32, i32
  }
  func.func @transform_7(%arg0: i32) -> (i32, i32) {
    %c0_i32 = arith.constant 0 : i32
    %c0_i32_0 = arith.constant 0 : i32
    return %arg0, %c0_i32 : i32, i32
  }
}

module attributes {stable_mosaic.version = 14 : i64} {
  func.func @_final_body(%arg0: i32, %arg1: memref<1024x128xf32, #tpu.memory_space<vmem>>, %arg2: memref<1024x128xf32, #tpu.memory_space<vmem>>, %arg3: memref<1024x16xf32, #tpu.memory_space<vmem>>, %arg4: memref<1024x16xf32, #tpu.memory_space<vmem>>, %arg5: memref<1024x128xf32, #tpu.memory_space<vmem>>, %arg6: memref<1024x128xf32, #tpu.memory_space<vmem>>) attributes {dimension_semantics = [#tpu.dimension_semantics<arbitrary>], iteration_bounds = array<i64: 10>, scalar_prefetch = 0 : i64, scratch_operands = 0 : i64, tpu.core_type = #tpu.core_type<tc>, window_params = [{transform_indices = @transform_0, window_bounds = array<i64: 1024, 128>}, {transform_indices = @transform_1, window_bounds = array<i64: 1024, 128>}, {transform_indices = @transform_2, window_bounds = array<i64: 1024, 16>}, {transform_indices = @transform_3, window_bounds = array<i64: 1024, 16>}, {transform_indices = @transform_4, window_bounds = array<i64: 1024, 128>}, {transform_indices = @transform_5, window_bounds = array<i64: 1024, 128>}]} {
    %get3A = arith.constant 0 : index
    %get3A_0 = arith.constant 0 : index
    %get3A_1 = vector.load %arg1[%get3A, %get3A_0] : memref<1024x128xf32, #tpu.memory_space<vmem>>, vector<1024x128xf32>
    %get3A_2 = arith.constant 0 : index
    %get3A_3 = arith.constant 0 : index
    %get3A_4 = vector.load %arg2[%get3A_2, %get3A_3] : memref<1024x128xf32, #tpu.memory_space<vmem>>, vector<1024x128xf32>
    %add3A = arith.addf %get3A_1, %get3A_4 : vector<1024x128xf32>
    %get3A_5 = arith.constant 0 : index
    %get3A_6 = arith.constant 0 : index
    %get3A_7 = vector.load %arg3[%get3A_5, %get3A_6] : memref<1024x16xf32, #tpu.memory_space<vmem>>, vector<1024x1xf32>
    %get3A_8 = arith.constant 0 : index
    %get3A_9 = arith.constant 0 : index
    %get3A_10 = vector.load %arg4[%get3A_8, %get3A_9] : memref<1024x16xf32, #tpu.memory_space<vmem>>, vector<1024x1xf32>
    %add3A_11 = arith.addf %get3A_7, %get3A_10 : vector<1024x1xf32>
    %max3A = arith.constant 1.000000e+00 : f32
    %max3A_12 = vector.broadcast %max3A : f32 to vector<1024x1xf32>
    %max3A_13 = arith.maximumf %add3A_11, %max3A_12 : vector<1024x1xf32>
    %div3A = vector.broadcast %max3A_13 : vector<1024x1xf32> to vector<1024x128xf32>
    %div3A_14 = arith.divf %add3A, %div3A : vector<1024x128xf32>
    %get3A_15 = arith.constant 0 : index
    %get3A_16 = arith.constant 0 : index
    %get3A_17 = vector.load %arg5[%get3A_15, %get3A_16] : memref<1024x128xf32, #tpu.memory_space<vmem>>, vector<1024x128xf32>
    %add3A_18 = arith.addf %div3A_14, %get3A_17 : vector<1024x128xf32>
    %reduce_max3A = arith.constant dense<0xFF800000> : vector<1024xf32>
    %reduce_max3A_19 = vector.multi_reduction <maximumf>, %add3A_18, %reduce_max3A [1] : vector<1024x128xf32> to vector<1024xf32>
    %broadcast_in_dim3A = vector.shape_cast %reduce_max3A_19 : vector<1024xf32> to vector<1024x1xf32>
    %sub3A = vector.broadcast %broadcast_in_dim3A : vector<1024x1xf32> to vector<1024x128xf32>
    %sub3A_20 = arith.subf %add3A_18, %sub3A : vector<1024x128xf32>
    %exp3A = math.exp %sub3A_20 : vector<1024x128xf32>
    %reduce_sum3A = arith.constant dense<0.000000e+00> : vector<1024xf32>
    %reduce_sum3A_21 = vector.multi_reduction <add>, %exp3A, %reduce_sum3A [1] : vector<1024x128xf32> to vector<1024xf32>
    %broadcast_in_dim3A_22 = vector.shape_cast %reduce_sum3A_21 : vector<1024xf32> to vector<1024x1xf32>
    %log3A = math.log %broadcast_in_dim3A_22 : vector<1024x1xf32>
    %sub3A_23 = vector.broadcast %broadcast_in_dim3A : vector<1024x1xf32> to vector<1024x128xf32>
    %sub3A_24 = arith.subf %add3A_18, %sub3A_23 : vector<1024x128xf32>
    %sub3A_25 = vector.broadcast %log3A : vector<1024x1xf32> to vector<1024x128xf32>
    %sub3A_26 = arith.subf %sub3A_24, %sub3A_25 : vector<1024x128xf32>
    %swap3A = arith.constant 0 : index
    %swap3A_27 = arith.constant 0 : index
    %swap3A_28 = vector.load %arg6[%swap3A, %swap3A_27] : memref<1024x128xf32, #tpu.memory_space<vmem>>, vector<1024x128xf32>
    tpu.vector_store %arg6[%swap3A, %swap3A_27], %sub3A_26 {strides = array<i32>} : memref<1024x128xf32, #tpu.memory_space<vmem>>, vector<1024x128xf32>,
    return
  }
  func.func @transform_0(%arg0: i32) -> (i32, i32) {
    %c0_i32 = arith.constant 0 : i32
    %c0_i32_0 = arith.constant 0 : i32
    return %arg0, %c0_i32 : i32, i32
  }
  func.func @transform_1(%arg0: i32) -> (i32, i32) {
    %add3A = arith.constant 10 : i32
    %add3A_0 = arith.addi %arg0, %add3A : i32
    %c0_i32 = arith.constant 0 : i32
    %c0_i32_1 = arith.constant 0 : i32
    return %add3A_0, %c0_i32 : i32, i32
  }
  func.func @transform_2(%arg0: i32) -> (i32, i32) {
    %c0_i32 = arith.constant 0 : i32
    %c0_i32_0 = arith.constant 0 : i32
    return %arg0, %c0_i32 : i32, i32
  }
  func.func @transform_3(%arg0: i32) -> (i32, i32) {
    %add3A = arith.constant 10 : i32
    %add3A_0 = arith.addi %arg0, %add3A : i32
    %c0_i32 = arith.constant 0 : i32
    %c0_i32_1 = arith.constant 0 : i32
    return %add3A_0, %c0_i32 : i32, i32
  }
  func.func @transform_4(%arg0: i32) -> (i32, i32) {
    %c0_i32 = arith.constant 0 : i32
    %c0_i32_0 = arith.constant 0 : i32
    return %arg0, %c0_i32 : i32, i32
  }
  func.func @transform_5(%arg0: i32) -> (i32, i32) {
    %c0_i32 = arith.constant 0 : i32
    %c0_i32_0 = arith.constant 0 : i32
    return %arg0, %c0_i32 : i32, i32
  }
}

</mosaic_0001>

<sc_bundles>
// kernel: kernel.5.cloned.1.call-start
scs
__scs_entry_jumppad:
0x0: {  	(pc) =	sbr.rel $0x88, $3  }
0x1: {  	(tag) =	ssettag $0x0;
	lr =	simm.s32 $0x1  }
0x2: {  	[smem:$0x3F9A] =	sst lr;
	_ =	strace $0xD0000000  }
0x3: {  	_ = 	snop  }
0x4: {  	_ = 	snop  }
0x5: {  	_ = 	snop  }
0x6: {  	_ = 	snop  }
0x7: {  	_ = 	snop  }
__scs_overlays_trampoline_lowered:
0x8: {  	[smem:$0x3FA9] =	sst s0  }
0x9: {  	[smem:$0x3FAA] =	sst s1  }
0xa: {  	[smem:$0x3FAB] =	sst s2  }
0xb: {  	[smem:$0x3FAC] =	sst s3  }
0xc: {  	[smem:$0x3FAD] =	sst s4  }
0xd: {  	[smem:$0x3FAE] =	sst s5  }
0xe: {  	[smem:$0x3FAF] =	sst s6  }
0xf: {  	[smem:$0x3FB0] =	sst s7  }
0x10: {  	[smem:$0x3FB1] =	sst s8  }
0x11: {  	[smem:$0x3FB2] =	sst s9;
	s0 =	simm.s32 @!p0 $0x0  }
0x12: {  	s1 =	sld [smem:$0x3F98];
	s0 =	simm.s32 @p0 $0x1  }
0x13: {  	[smem:$0x3FB3] =	sst s0;
	s0 =	simm.s32 @!p1 $0x0  }
0x14: {  	s2 =	sld [smem:$0x3F97];
	s0 =	simm.s32 @p1 $0x1  }
0x15: {  	[smem:$0x3FB4] =	sst s0;
	s0 =	simm.s32 @!p2 $0x0  }
0x16: {  	s3 =	sld [smem:$0x3FDB];
	s0 =	simm.s32 @p2 $0x1  }
0x17: {  	s4 =	simm.s32 $0x1BF5;
	[smem:$0x3FB6] =	sst s0  }
0x18: {  	s0 =	sld [smem:$0x3F99];
	_ =	swait.ge [sflag:s4], $0x0  }
0x19: {  	s7 =	sld [smem:$0x3F9A]  }
0x1a: {  	s8 =	sadd.s32 $0xFFFFE003, lr  }
0x1b: {  	s9 =	sadd.s32 $0xFFFFFEF7, lr;
	s5 =	simm.s32 $0xFFFFFFFF;
	p2 =	slt.u32 s8, $0xFFFFF086  }
0x1c: {  	p1 =	slt.u32 s9, $0xF7A;
	s5 =	simm.s32 @!p2 $0x0  }
0x1d: {  	s5 =	simm.s32 @p1 $0x1;
	p0 =	seq.s32 s7, s2  }
0x1e: {  	s7 =	smul.u32 @!p0 $0xF7A, s2;
	p2 =	seq.s32 @!p0 s5, $0x0  }
0x1f: {  	s9 =	smul.u32 $0xF7A, s1;
	s8 =	simm.s32 @!p0 $0x1BF5;
	p2 =	por !p2, p0  }
0x20: {  	[sflag:s8] =	ssyncset.s32 @!p0 $0xFFFFF086;
	s6 =	sadd.s32 @!p0 s3, s7;
	s7 =	simm.s32 @!p0 $0x108  }
0x21: {  	s3 =	sadd.s32 s3, s9;
	s6 =	sadd.s32 @!p0 $0x88, s6;
	s7 =	simm.s32 @p2 $0x1082  }
0x22: {  	[simem:s7], [sflag:s8] =	dma.local @!p0 [hbm:s6], $0xF7A  }
0x23: {  	s9 =	sor.u32 $0xD0000000, s2;
	s6 =	simm.s32 $0x108;
	_ =	swait.ge @!p0 [sflag:s8], $0x0  }
0x24: {  	s3 =	sadd.s32 $0x88, s3;
	s6 =	simm.s32 @!p1 $0x1082;
	[sflag:s4] =	ssyncset.s32 $0xFFFFF086  }
0x25: {  	[simem:s6], [sflag:s4] =	dma.local [hbm:s3], $0xF7A  }
0x26: {  	[smem:$0x3F9A] =	sst s1;
	(tag) =	ssettag s2;
	_ =	strace s9  }
0x27: {  	s1 =	sld [smem:$0x3FAA]  }
0x28: {  	s2 =	sld [smem:$0x3FAB]  }
0x29: {  	s4 =	sld [smem:$0x3FAD]  }
0x2a: {  	p0 =	seq.s32 s5, $0x0;
	s5 =	sld [smem:$0x3FAE]  }
0x2b: {  	s6 =	sld [smem:$0x3FAF]  }
0x2c: {  	s7 =	sld [smem:$0x3FB0]  }
0x2d: {  	s3 =	simm.s32 $0x108;
	s8 =	sld [smem:$0x3FB1]  }
0x2e: {  	s3 =	simm.s32 @!p0 $0x1082;
	s9 =	sld [smem:$0x3FB2]  }
0x2f: {  	lr =	sadd.s32 s0, s3;
	s0 =	sld [smem:$0x3FA9]  }
0x30: {  	s3 =	sld [smem:$0x3FAC]  }
0x31: {  	[smem:$0x3FB5] =	sst s10  }
0x32: {  	s10 =	sld [smem:$0x3FB3];
	_ =	sdelay $0x3  }
0x33: {  	p0 =	seq.s32 s10, $0x1;
	s10 =	sld [smem:$0x3FB5];
	_ =	sdelay $0x3  }
0x34: {  	[smem:$0x3FB5] =	sst s10  }
0x35: {  	s10 =	sld [smem:$0x3FB4];
	_ =	sdelay $0x3  }
0x36: {  	p1 =	seq.s32 s10, $0x1;
	s10 =	sld [smem:$0x3FB5];
	_ =	sdelay $0x3  }
0x37: {  	[smem:$0x3FB5] =	sst s10  }
0x38: {  	s10 =	sld [smem:$0x3FB6]  }
0x39: {  	_ = 	snop;
	(pc) =	sbr.ind lr, $3  }
0x3a: {  	_ = 	snop  }
0x3b: {  	_ = 	snop  }
0x3c: {  	p2 =	seq.s32 s10, $0x1;
	s10 =	sld [smem:$0x3FB5]  }
0x3d: {  	_ =	shalt  }
0x3e: {  	_ =	shalt  }
0x3f: {  	_ =	shalt  }
0x40: {  	_ =	shalt  }
0x41: {  	_ =	shalt  }
0x42: {  	_ =	shalt  }
0x43: {  	_ =	shalt  }
0x44: {  	_ =	shalt  }
0x45: {  	_ =	shalt  }
0x46: {  	_ =	shalt  }
0x47: {  	_ =	shalt  }
0x48: {  	_ =	shalt  }
0x49: {  	_ =	shalt  }
0x4a: {  	_ =	shalt  }
0x4b: {  	_ =	shalt  }
0x4c: {  	_ =	shalt  }
0x4d: {  	_ =	shalt  }
0x4e: {  	_ =	shalt  }
0x4f: {  	_ =	shalt  }
0x50: {  	_ =	shalt  }
0x51: {  	_ =	shalt  }
0x52: {  	_ =	shalt  }
0x53: {  	_ =	shalt  }
0x54: {  	_ =	shalt  }
0x55: {  	_ =	shalt  }
0x56: {  	_ =	shalt  }
0x57: {  	_ =	shalt  }
0x58: {  	_ =	shalt  }
0x59: {  	_ =	shalt  }
0x5a: {  	_ =	shalt  }
0x5b: {  	_ =	shalt  }
0x5c: {  	_ =	shalt  }
0x5d: {  	_ =	shalt  }
0x5e: {  	_ =	shalt  }
0x5f: {  	_ =	shalt  }
0x60: {  	_ =	shalt  }
0x61: {  	_ =	shalt  }
0x62: {  	_ =	shalt  }
0x63: {  	_ =	shalt  }
0x64: {  	_ =	shalt  }
0x65: {  	_ =	shalt  }
0x66: {  	_ =	shalt  }
0x67: {  	_ =	shalt  }
0x68: {  	_ =	shalt  }
0x69: {  	_ =	shalt  }
0x6a: {  	_ =	shalt  }
0x6b: {  	_ =	shalt  }
0x6c: {  	_ =	shalt  }
0x6d: {  	_ =	shalt  }
0x6e: {  	_ =	shalt  }
0x6f: {  	_ =	shalt  }
0x70: {  	_ =	shalt  }
0x71: {  	_ =	shalt  }
0x72: {  	_ =	shalt  }
0x73: {  	_ =	shalt  }
0x74: {  	_ =	shalt  }
0x75: {  	_ =	shalt  }
0x76: {  	_ =	shalt  }
0x77: {  	_ =	shalt  }
0x78: {  	_ =	shalt  }
0x79: {  	_ =	shalt  }
0x7a: {  	_ =	shalt  }
0x7b: {  	_ =	shalt  }
0x7c: {  	_ =	shalt  }
0x7d: {  	_ =	shalt  }
0x7e: {  	_ =	shalt  }
0x7f: {  	_ =	shalt  }
0x80: {  	_ =	shalt  }
0x81: {  	_ =	shalt  }
0x82: {  	_ =	shalt  }
0x83: {  	_ =	shalt  }
0x84: {  	_ =	shalt  }
0x85: {  	_ =	shalt  }
0x86: {  	_ =	shalt  }
0x87: {  	_ =	shalt  }
.Lfunc_end0:
.L_simem_size_0:
called_computation_lowered:
.L_overlay_start_0:
0x88: {  	s2 =	sld [smem:$0x3FD9]  }
0x89: {  	s3 =	sld [smem:$0x3FFE];
	_ =	sdelay $0x1  }
0x8a: {  	s1 =	srdreg.scid  }
0x8b: {  	s0 =	sand.u32 $0x1, s1  }
0x8c: {  	s17 =	sshll.u32 s0, $0xA;
	s2 =	sadd.s32 s3, s2  }
0x8d: {  	s2 =	sadd.s32 s2, s17  }
0x8e: {  	[smem:$0x3FC1] =	sst s2  }
0x8f: {  	_ = 	snop  }
0x90: {  	s2 =	sld [smem:$0x3FD0];
	(tm) =	ssettm $0x1  }
0x91: {  	s18 =	sld [smem:$0x3FFB];
	_ =	sdelay $0x3  }
0x92: {  	_ =	strace s18  }
0x93: {  	s3 =	sld [smem:$0x3FFC];
	_ =	sdelay $0x3  }
0x94: {  	_ =	strace s3  }
0x95: {  	s3 =	sld [smem:$0x3FFD];
	_ =	sdelay $0x3  }
0x96: {  	_ =	strace s3  }
0x97: {  	_ =	strace $0x8FFFFFFF  }
0x98: {  	s19 =	sld [smem:$0x3FDB];
	_ =	sdelay $0x1  }
0x99: {  	s4 =	simm.s32 $_scs_section_size  }
0x9a: {  	s5 =	simm.s32 $_size__tile_overlayer_lowered;
	s6 =	simm.s32 $_tile_overlayer_lowered  }
0x9b: {  	s22 =	simm.s32 $0x1BFF;
	s21 =	sshll.u32 s6, $0x1;
	s3 =	sadd.s32 s4, s19  }
0x9c: {  	s7 =	simm.s32 $0x0;
	s20 =	sshll.u32 s5, $0x1;
	s5 =	sadd.s32 s21, s3  }
0x9d: {  	[timem:s7], [sflag:s22] =	dma.local [hbm:s5], s20  }
0x9e: {  	_ =	swait.ge [sflag:s22], s20  }
0x9f: {  	s4 =	ssub.s32 $0x0, s20;
	[sflag:s22] =	ssyncset.done $0x0  }
0xa0: {  	[sflag:s22] =	ssyncadd.s32 s4;
	_ =	sdelay $0x1  }
0xa1: {  	s23 =	simm.s32 $0x1B8B  }
0xa2: {  	_ =	swait.ge [sflag:s23], $0x1  }
0xa3: {  	[sflag:s23] =	ssyncset.done $0x0  }
0xa4: {  	s25 =	simm.s32 $0x1B8E;
	s24 =	sld [smem:$0x3FFE];
	[sflag:s23] =	ssyncadd.s32 $0xFFFFFFFF  }
0xa5: {  	s26 =	simm.s32 $execute0_lowered;
	[smem:$0x3FD2] =	sst s25  }
0xa6: {  	s5 =	sshll.u32 s26, $0x1;
	_ =	strace $0x80000046;
	[dreg:$0x1] =	wrdreg $0xFFFFFFFF  }
0xa7: {  	s28 =	simm.s32 $_size_execute0_lowered;
	s3 =	sadd.s32 s3, s5;
	[dreg:$0x0] =	wrdreg $0x0  }
0xa8: {  	s5 =	sshll.u32 s28, $0x1;
	[dreg:$0x2] =	wrdreg s3  }
0xa9: {  	[dreg:$0x3] =	wrdreg s5  }
0xaa: {  	[dreg:$0x4] =	wrdreg $0xC0  }
0xab: {  	_ =	task [dreg:s7], $0x5FFFF  }
0xac: {  	[dreg:$0x1] =	wrdreg $0xFFFFFFFF  }
0xad: {  	[dreg:$0x0] =	wrdreg $0x60  }
0xae: {  	[dreg:$0x2] =	wrdreg s24  }
0xaf: {  	[dreg:$0x3] =	wrdreg s2  }
0xb0: {  	[dreg:$0x4] =	wrdreg $0x8CA00  }
0xb1: {  	[dreg:$0x5] =	wrdreg $0x1CCA00  }
0xb2: {  	[dreg:$0x6] =	wrdreg $0x9  }
0xb3: {  	_ =	task.clear_ibuf [dreg:s7], $0x7FFFF;
	_ =	strace $0x90000046  }
0xb4: {  	s29 =	simm.s32 $0x9;
	_ =	strace $0x80000048  }
0xb5: {  	_ =	swait.ge [sflag:s29], $0x1  }
0xb6: {  	[sflag:s29] =	ssyncadd.s32 $0xFFFFFFFF  }
0xb7: {  	_ =	strace $0x90000048  }
0xb8: {  	_ =	sfence  }
0xb9: {  	s30 =	sld [smem:$0x0];
	_ =	sdelay $0x2  }
0xba: {  	s31 =	sshll.u32 s1, $0xD;
	s1 =	sshrl.u32 s1, $0x2  }
0xbb: {  	s3 =	sand.u32 $0x4000, s31;
	s1 =	sadd.s32 s1, s30  }
0xbc: {  	s0 =	sor.u32 s3, s0;
	s1 =	sshll.u32 s1, $0x11  }
0xbd: {  	s0 =	sor.u32 s1, s0  }
0xbe: {  	s0 =	sadd.s32 $0x8F2B, s0  }
0xbf: {  	[sflag:s0] =	ssyncadd.remote.s32 $0x1  }
0xc0: {  	_ =	sfence.sel $0xFFFF  }
0xc1: {  	[dreg:$0x0] =	wrdreg $0xFFFFFFFF;
	(pc) =	sbr.abs _section_cstart, $3  }
0xc2: {  	[dreg:$0x1] =	wrdreg $0xFFFFFFFF  }
0xc3: {  	_ =	task.clear_ibuf [dreg:s7], $0x2FFFF;
	_ =	strace $0x9FFFFFFF  }
0xc4: {  	(tm) =	ssettm $0x7FFFFFFF  }
0xc5: {  	_ =	shalt  }
tec
execute0_lowered:
.L_overlay_start_1:
0x0: {  	(tag) =	ssettag $0x1  }
0x1: {  	s0 =	rddreg [dreg:$0x0]  }
0x2: {  	s1 =	rddreg [dreg:$0x1]  }
0x3: {  	s3 =	srdreg.scid;
	s2 =	rddreg [dreg:$0x2]  }
0x4: {  	s15 =	stileid.u32;
	s4 =	simm.s32 $0x0;
	s18 =	simm.s32 $0x28  }
0x5: {  	s19 =	simm.s32 $0x4E20;
	s20 =	simm.s32 $0x6220;
	s21 =	simm.s32 $0x1  }
0x6: {  	s22 =	simm.s32 $0x7620;
	s23 =	simm.s32 $0x8A20;
	s7 =	smul.u32 $0x2710, s15  }
0x7: {  	s28 =	simm.s32 $0x4D80;
	s30 =	simm.s32 $0x4DA8;
	s8 =	smul.u32 $0x14000, s15  }
0x8: {  	s6 =	sand.u32 $0x1, s3;
	s3 =	rddreg [dreg:$0x3];
	s9 =	smul.u32 $0x2800, s15  }
0x9: {  	s31 =	simm.s32 $0x4DD0;
	[smem:$0x7FF] =	sst s4;
	s24 =	smul.u32 $0x280, s15  }
0xa: {  	s25 =	sshll.u32 s15, $0x6;
	s15 =	simm.s32 $0x4;
	s5 =	smul.u32 $0x27100, s6  }
0xb: {  	_ =	strace $0x80000047;
	s12 =	smul.u32 $0x2800, s6;
	s6 =	ssub.s32 $0x2, s6  }
0xc: {  	s11 =	sshrl.u32 s8, $0x3;
	s13 =	sshrl.u32 s9, $0x3;
	s14 =	sshrl.u32 s6, $0x1  }
0xd: {  	s26 =	sadd.s32 s8, s2;
	s16 =	sadd.s32 s9, s3;
	s5 =	sadd.s32 s7, s5  }
0xe: {  	s11 =	sadd.s32 s11, s0;
	s12 =	sadd.s32 s24, s12;
	s13 =	sadd.s32 s13, s0  }
0xf: {  	s14 =	ssub.s32 s6, s14;
	s16 =	sshrl.u32 s16, $0x3;
	s24 =	simm.s32 $0x2  }
0x10: {  	s10 =	sshrl.u32 s5, $0x3;
	s5 =	sadd.s32 $0x14E00, s0;
	s7 =	sshll.u32 s12, $0x4  }
0x11: {  	s6 =	sadd.s32 $0x41E00, s11;
	s8 =	sadd.s32 $0x3CE00, s13;
	s29 =	sshll.u32 s12, $0x1  }
0x12: {  	s13 =	smax.u32 s14, $0x1;
	s14 =	sshrl.u32 s26, $0x3;
	s10 =	sadd.s32 s10, s0  }
0x13: {  	s0 =	sadd.s32 s7, s0;
	s7 =	sor.u32 $0x1C04, s25;
	s12 =	sadd.s32 s1, s29  }
0x14: {  	v0 =	vimm.f32 $0.0e+00;
	vm0 =	vcmask $0x300;
	s25 =	simm.s32 $0x3;
	s1 =	simm.s32 $0x4DF8;
	s9 =	sadd.s32 $0xB000, s10  }
0x15: {  	v0 =	vsel vm0, $0x3F800000, v0;
	s10 =	sadd.s32 $0x1200, s10;
	s11 =	sadd.s32 $0x69E00, s0;
	s0 =	simm.s32 $0x0  }
.LBB2_1:
0x16: {  	[spmem:s14], [sflag:s7] =	dma.local [hbm:s6], $0x2800  }
0x17: {  	_ =	swait.ge [sflag:s15], $0x2800  }
0x18: {  	[sflag:s15] =	ssyncset.done $0x0  }
0x19: {  	[sflag:s15] =	ssyncadd.s32 $0xFFFFD800  }
0x1a: {  	[spmem:s16], [sflag:s7] =	dma.local [hbm:s8], $0x500  }
0x1b: {  	_ =	swait.ge [sflag:s15], $0x500  }
0x1c: {  	[sflag:s15] =	ssyncset.done $0x0  }
0x1d: {  	[sflag:s15] =	ssyncadd.s32 $0xFFFFFB00  }
0x1e: {  	[tilespmem:s4], [sflag:$0x4] =	stream.linear.gather [hbm4b:s9+s4], $0x2710, $0x38;
	[tilespmem:$0x1F4A0] =	vst v63  }
0x1f: {  	_ =	swait.ge [sflag:s15], $0x2710  }
0x20: {  	[sflag:s15] =	ssyncset.done $0x0  }
0x21: {  	s17 =	simm.s32 $0x2710;
	[sflag:s15] =	ssyncadd.s32 $0xFFFFD8F0  }
0x22: {  	[tilespmem:s17], [sflag:$0x4] =	stream.linear.gather [hbm4b:s10+s4], $0x2710, $0x38;
	[tilespmem:$0x1F4A0] =	vst v63  }
0x23: {  	_ =	swait.ge [sflag:s15], $0x2710  }
0x24: {  	[sflag:s15] =	ssyncset.done $0x0  }
0x25: {  	[sflag:s15] =	ssyncadd.s32 $0xFFFFD8F0  }
0x26: {  	[tilespmem:$0x8A20] =	vst v0  }
0x27: {  	[tilespmem:$0x8A30] =	vst v0  }
0x28: {  	[tilespmem:$0x8A40] =	vst v0  }
0x29: {  	[tilespmem:$0x8A50] =	vst v0  }
0x2a: {  	[tilespmem:$0x8A60] =	vst v0  }
0x2b: {  	[tilespmem:$0x8A70] =	vst v0  }
0x2c: {  	[tilespmem:$0x8A80] =	vst v0  }
0x2d: {  	[tilespmem:$0x8A90] =	vst v0  }
0x2e: {  	[tilespmem:$0x8AA0] =	vst v0  }
0x2f: {  	[tilespmem:$0x8AB0] =	vst v0  }
0x30: {  	[tilespmem:$0x8AC0] =	vst v0  }
0x31: {  	[tilespmem:$0x8AD0] =	vst v0  }
0x32: {  	[tilespmem:$0x8AE0] =	vst v0  }
0x33: {  	[tilespmem:$0x8AF0] =	vst v0  }
0x34: {  	[tilespmem:$0x8B00] =	vst v0  }
0x35: {  	[tilespmem:$0x8B10] =	vst v0  }
0x36: {  	[tilespmem:$0x8B20] =	vst v0  }
0x37: {  	[tilespmem:$0x8B30] =	vst v0  }
0x38: {  	[tilespmem:$0x8B40] =	vst v0  }
0x39: {  	[tilespmem:$0x8B50] =	vst v0  }
0x3a: {  	[tilespmem:$0x8B60] =	vst v0  }
0x3b: {  	[tilespmem:$0x8B70] =	vst v0  }
0x3c: {  	[tilespmem:$0x8B80] =	vst v0  }
0x3d: {  	[tilespmem:$0x8B90] =	vst v0  }
0x3e: {  	[tilespmem:$0x8BA0] =	vst v0  }
0x3f: {  	[tilespmem:$0x8BB0] =	vst v0  }
0x40: {  	[tilespmem:$0x8BC0] =	vst v0  }
0x41: {  	[tilespmem:$0x8BD0] =	vst v0  }
0x42: {  	[tilespmem:$0x8BE0] =	vst v0  }
0x43: {  	[tilespmem:$0x8BF0] =	vst v0  }
0x44: {  	[tilespmem:$0x8C00] =	vst v0  }
0x45: {  	[tilespmem:$0x8C10] =	vst v0  }
0x46: {  	[tilespmem:$0x8C20] =	vst v0  }
0x47: {  	[tilespmem:$0x8C30] =	vst v0  }
0x48: {  	[tilespmem:$0x8C40] =	vst v0  }
0x49: {  	[tilespmem:$0x8C50] =	vst v0  }
0x4a: {  	[tilespmem:$0x8C60] =	vst v0  }
0x4b: {  	[tilespmem:$0x8C70] =	vst v0  }
0x4c: {  	[tilespmem:$0x8C80] =	vst v0  }
0x4d: {  	[tilespmem:$0x8C90] =	vst v0  }
0x4e: {  	[bflag:$0x0] =	sbarrier.arrive $0xFFFF  }
0x4f: {  	[tilespmem:s19], [sflag:$0x1] =	stream.indirect.gather [hbm4b:s5+s18], $0x80, s4, s18, $0xb8;
	[tilespmem:$0x1F4A0] =	vst v63  }
0x50: {  	_ = 	snop  }
0x51: {  	[tilespmem:s20], [sflag:$0x2] =	stream.indirect.gather [hbm4b:s5+s18], $0x80, s18, s18, $0xb8;
	[tilespmem:$0x1F4A0] =	vst v63  }
0x52: {  	_ =	swait.ge [sflag:s21], $0x1400  }
0x53: {  	[sflag:s21] =	ssyncset.done $0x0  }
0x54: {  	s26 =	simm.s32 $0x50;
	[sflag:s21] =	ssyncadd.s32 $0xFFFFEC00  }
0x55: {  	[tilespmem:s22], [sflag:$0x3] =	stream.indirect.gather [hbm4b:s5+s18], $0x80, s26, s18, $0xb8;
	[tilespmem:$0x1F4A0] =	vst v63  }
0x56: {  	s29 =	simm.s32 $0x2710  }
0x57: {  	[spmem:s2] =	stream.indirect.scatter.add.f32 [tilespmem:s19], [sflag:$0x4], $0x80, s29, s18, $0xb8;
	[tilespmem:$0x1F4A0] =	vst v63  }
0x58: {  	_ =	swait.ge [sflag:s15], $0x1400  }
0x59: {  	[sflag:s15] =	ssyncset.done $0x0  }
0x5a: {  	[sflag:s15] =	ssyncadd.s32 $0xFFFFEC00  }
0x5b: {  	[spmem:s3] =	stream.indirect.scatter.add.f32 [tilespmem:s23], [sflag:$0x4], $0x10, s29, s18, $0xb8;
	[tilespmem:$0x1F4A0] =	vst v63  }
0x5c: {  	_ =	swait.ge [sflag:s15], $0x280  }
0x5d: {  	[sflag:s15] =	ssyncset.done $0x0  }
0x5e: {  	[sflag:s15] =	ssyncadd.s32 $0xFFFFFD80  }
0x5f: {  	_ =	swait.ge [sflag:s24], $0x1400  }
0x60: {  	[sflag:s24] =	ssyncset.done $0x0  }
0x61: {  	s26 =	simm.s32 $0x78;
	[sflag:s24] =	ssyncadd.s32 $0xFFFFEC00  }
0x62: {  	[tilespmem:s19], [sflag:$0x1] =	stream.indirect.gather [hbm4b:s5+s18], $0x80, s26, s18, $0xb8;
	[tilespmem:$0x1F4A0] =	vst v63  }
0x63: {  	s29 =	simm.s32 $0x2738  }
0x64: {  	[spmem:s2] =	stream.indirect.scatter.add.f32 [tilespmem:s20], [sflag:$0x4], $0x80, s29, s18, $0xb8;
	[tilespmem:$0x1F4A0] =	vst v63  }
0x65: {  	_ =	swait.ge [sflag:s15], $0x1400  }
0x66: {  	[sflag:s15] =	ssyncset.done $0x0  }
0x67: {  	[sflag:s15] =	ssyncadd.s32 $0xFFFFEC00  }
0x68: {  	[spmem:s3] =	stream.indirect.scatter.add.f32 [tilespmem:s23], [sflag:$0x4], $0x10, s29, s18, $0xb8;
	[tilespmem:$0x1F4A0] =	vst v63  }
0x69: {  	_ =	swait.ge [sflag:s15], $0x280  }
0x6a: {  	[sflag:s15] =	ssyncset.done $0x0  }
0x6b: {  	[sflag:s15] =	ssyncadd.s32 $0xFFFFFD80  }
0x6c: {  	_ =	swait.ge [sflag:s25], $0x1400  }
0x6d: {  	[sflag:s25] =	ssyncset.done $0x0  }
0x6e: {  	s26 =	simm.s32 $0xA0;
	[sflag:s25] =	ssyncadd.s32 $0xFFFFEC00  }
0x6f: {  	[tilespmem:s20], [sflag:$0x2] =	stream.indirect.gather [hbm4b:s5+s18], $0x80, s26, s18, $0xb8;
	[tilespmem:$0x1F4A0] =	vst v63  }
0x70: {  	s29 =	simm.s32 $0x2760  }
0x71: {  	[spmem:s2] =	stream.indirect.scatter.add.f32 [tilespmem:s22], [sflag:$0x4], $0x80, s29, s18, $0xb8;
	[tilespmem:$0x1F4A0] =	vst v63  }
0x72: {  	_ =	swait.ge [sflag:s15], $0x1400  }
0x73: {  	[sflag:s15] =	ssyncset.done $0x0  }
0x74: {  	[sflag:s15] =	ssyncadd.s32 $0xFFFFEC00  }
0x75: {  	[spmem:s3] =	stream.indirect.scatter.add.f32 [tilespmem:s23], [sflag:$0x4], $0x10, s29, s18, $0xb8;
	[tilespmem:$0x1F4A0] =	vst v63  }
0x76: {  	_ =	swait.ge [sflag:s15], $0x280  }
0x77: {  	s17 =	simm.s32 $0x1E0;
	[sflag:s15] =	ssyncset.done $0x0  }
.LBB2_2:
0x78: {  	p0 =	sne.s32 s17, $0x97E0  }
0x79: {  	[sflag:s15] =	ssyncadd.s32 $0xFFFFFD80;
	s26 =	smov.u32 s17;
	s17 =	sadd.s32 $0x1E0, s17  }
0x7a: {  	_ =	swait.ge [sflag:s21], $0x1400  }
0x7b: {  	s26 =	sshra.s32 s26, $0x2;
	[sflag:s21] =	ssyncset.done $0x0  }
0x7c: {  	s29 =	sadd.s32 $0x50, s26;
	[sflag:s21] =	ssyncadd.s32 $0xFFFFEC00  }
0x7d: {  	[tilespmem:s22], [sflag:$0x3] =	stream.indirect.gather [hbm4b:s5+s18], $0x80, s29, s18, $0xb8;
	[tilespmem:$0x1F4A0] =	vst v63  }
0x7e: {  	s29 =	sadd.s32 $0x2710, s26  }
0x7f: {  	[spmem:s2] =	stream.indirect.scatter.add.f32 [tilespmem:s19], [sflag:$0x4], $0x80, s29, s18, $0xb8;
	[tilespmem:$0x1F4A0] =	vst v63  }
0x80: {  	_ =	swait.ge [sflag:s15], $0x1400  }
0x81: {  	[sflag:s15] =	ssyncset.done $0x0  }
0x82: {  	[sflag:s15] =	ssyncadd.s32 $0xFFFFEC00  }
0x83: {  	[spmem:s3] =	stream.indirect.scatter.add.f32 [tilespmem:s23], [sflag:$0x4], $0x10, s29, s18, $0xb8;
	[tilespmem:$0x1F4A0] =	vst v63  }
0x84: {  	_ =	swait.ge [sflag:s15], $0x280  }
0x85: {  	[sflag:s15] =	ssyncset.done $0x0  }
0x86: {  	[sflag:s15] =	ssyncadd.s32 $0xFFFFFD80  }
0x87: {  	_ =	swait.ge [sflag:s24], $0x1400  }
0x88: {  	[sflag:s24] =	ssyncset.done $0x0  }
0x89: {  	s29 =	sadd.s32 $0x78, s26;
	[sflag:s24] =	ssyncadd.s32 $0xFFFFEC00  }
0x8a: {  	[tilespmem:s19], [sflag:$0x1] =	stream.indirect.gather [hbm4b:s5+s18], $0x80, s29, s18, $0xb8;
	[tilespmem:$0x1F4A0] =	vst v63  }
0x8b: {  	s29 =	sadd.s32 $0x2738, s26  }
0x8c: {  	[spmem:s2] =	stream.indirect.scatter.add.f32 [tilespmem:s20], [sflag:$0x4], $0x80, s29, s18, $0xb8;
	[tilespmem:$0x1F4A0] =	vst v63  }
0x8d: {  	_ =	swait.ge [sflag:s15], $0x1400  }
0x8e: {  	[sflag:s15] =	ssyncset.done $0x0  }
0x8f: {  	[sflag:s15] =	ssyncadd.s32 $0xFFFFEC00  }
0x90: {  	[spmem:s3] =	stream.indirect.scatter.add.f32 [tilespmem:s23], [sflag:$0x4], $0x10, s29, s18, $0xb8;
	[tilespmem:$0x1F4A0] =	vst v63  }
0x91: {  	_ =	swait.ge [sflag:s15], $0x280  }
0x92: {  	[sflag:s15] =	ssyncset.done $0x0  }
0x93: {  	[sflag:s15] =	ssyncadd.s32 $0xFFFFFD80  }
0x94: {  	_ =	swait.ge [sflag:s25], $0x1400  }
0x95: {  	[sflag:s25] =	ssyncset.done $0x0  }
0x96: {  	s29 =	sadd.s32 $0xA0, s26;
	[sflag:s25] =	ssyncadd.s32 $0xFFFFEC00  }
0x97: {  	[tilespmem:s20], [sflag:$0x2] =	stream.indirect.gather [hbm4b:s5+s18], $0x80, s29, s18, $0xb8;
	[tilespmem:$0x1F4A0] =	vst v63  }
0x98: {  	s26 =	sadd.s32 $0x2760, s26  }
0x99: {  	[spmem:s2] =	stream.indirect.scatter.add.f32 [tilespmem:s22], [sflag:$0x4], $0x80, s26, s18, $0xb8;
	[tilespmem:$0x1F4A0] =	vst v63  }
0x9a: {  	_ =	swait.ge [sflag:s15], $0x1400  }
.Ltmp0:
0x9b: {  	[sflag:s15] =	ssyncset.done $0x0;
	(pc) =	sbr.rel @p0 .LBB2_2-.Ltmp0, $4  }
0x9c: {  	[sflag:s15] =	ssyncadd.s32 $0xFFFFEC00  }
0x9d: {  	[spmem:s3] =	stream.indirect.scatter.add.f32 [tilespmem:s23], [sflag:$0x4], $0x10, s26, s18, $0xb8;
	[tilespmem:$0x1F4A0] =	vst v63  }
0x9e: {  	_ =	swait.ge [sflag:s15], $0x280  }
0x9f: {  	[sflag:s15] =	ssyncset.done $0x0  }
0xa0: {  	[sflag:s15] =	ssyncadd.s32 $0xFFFFFD80  }
0xa1: {  	_ =	swait.ge [sflag:s21], $0x1400  }
0xa2: {  	[sflag:s21] =	ssyncset.done $0x0  }
0xa3: {  	s17 =	simm.s32 $0x26C0;
	[sflag:s21] =	ssyncadd.s32 $0xFFFFEC00  }
0xa4: {  	[tilespmem:s22], [sflag:$0x3] =	stream.indirect.gather [hbm4b:s5+s18], $0x80, s17, s18, $0xb8;
	[tilespmem:$0x1F4A0] =	vst v63  }
0xa5: {  	_ = 	snop  }
0xa6: {  	[spmem:s2] =	stream.indirect.scatter.add.f32 [tilespmem:s19], [sflag:$0x4], $0x80, s28, s18, $0xb8;
	[tilespmem:$0x1F4A0] =	vst v63  }
0xa7: {  	_ =	swait.ge [sflag:s15], $0x1400  }
0xa8: {  	[sflag:s15] =	ssyncset.done $0x0  }
0xa9: {  	[sflag:s15] =	ssyncadd.s32 $0xFFFFEC00  }
0xaa: {  	[spmem:s3] =	stream.indirect.scatter.add.f32 [tilespmem:s23], [sflag:$0x4], $0x10, s28, s18, $0xb8;
	[tilespmem:$0x1F4A0] =	vst v63  }
0xab: {  	_ =	swait.ge [sflag:s15], $0x280  }
0xac: {  	[sflag:s15] =	ssyncset.done $0x0  }
0xad: {  	[sflag:s15] =	ssyncadd.s32 $0xFFFFFD80  }
0xae: {  	_ =	swait.ge [sflag:s24], $0x1400  }
0xaf: {  	[sflag:s24] =	ssyncset.done $0x0  }
0xb0: {  	s29 =	simm.s32 $0x26E8;
	[sflag:s24] =	ssyncadd.s32 $0xFFFFEC00  }
0xb1: {  	[tilespmem:s19], [sflag:$0x1] =	stream.indirect.gather [hbm4b:s5+s18], $0x80, s29, s18, $0xb8;
	[tilespmem:$0x1F4A0] =	vst v63  }
0xb2: {  	_ = 	snop  }
0xb3: {  	[spmem:s2] =	stream.indirect.scatter.add.f32 [tilespmem:s20], [sflag:$0x4], $0x80, s30, s18, $0xb8;
	[tilespmem:$0x1F4A0] =	vst v63  }
0xb4: {  	_ =	swait.ge [sflag:s15], $0x1400  }
0xb5: {  	[sflag:s15] =	ssyncset.done $0x0  }
0xb6: {  	[sflag:s15] =	ssyncadd.s32 $0xFFFFEC00  }
0xb7: {  	[spmem:s3] =	stream.indirect.scatter.add.f32 [tilespmem:s23], [sflag:$0x4], $0x10, s30, s18, $0xb8;
	[tilespmem:$0x1F4A0] =	vst v63  }
0xb8: {  	_ =	swait.ge [sflag:s15], $0x280  }
0xb9: {  	[sflag:s15] =	ssyncset.done $0x0  }
0xba: {  	[sflag:s15] =	ssyncadd.s32 $0xFFFFFD80  }
0xbb: {  	_ =	swait.ge [sflag:s25], $0x1400  }
0xbc: {  	[sflag:s25] =	ssyncset.done $0x0  }
0xbd: {  	[sflag:s25] =	ssyncadd.s32 $0xFFFFEC00  }
0xbe: {  	[spmem:s2] =	stream.indirect.scatter.add.f32 [tilespmem:s22], [sflag:$0x4], $0x80, s31, s18, $0xb8;
	[tilespmem:$0x1F4A0] =	vst v63  }
0xbf: {  	_ =	swait.ge [sflag:s15], $0x1400  }
0xc0: {  	[sflag:s15] =	ssyncset.done $0x0  }
0xc1: {  	[sflag:s15] =	ssyncadd.s32 $0xFFFFEC00  }
0xc2: {  	[spmem:s3] =	stream.indirect.scatter.add.f32 [tilespmem:s23], [sflag:$0x4], $0x10, s31, s18, $0xb8;
	[tilespmem:$0x1F4A0] =	vst v63  }
0xc3: {  	_ =	swait.ge [sflag:s15], $0x280  }
0xc4: {  	[sflag:s15] =	ssyncset.done $0x0  }
0xc5: {  	[sflag:s15] =	ssyncadd.s32 $0xFFFFFD80  }
0xc6: {  	_ =	swait.ge [sflag:s21], $0x1400  }
0xc7: {  	[sflag:s21] =	ssyncset.done $0x0  }
0xc8: {  	[sflag:s21] =	ssyncadd.s32 $0xFFFFEC00  }
0xc9: {  	[spmem:s2] =	stream.indirect.scatter.add.f32 [tilespmem:s19], [sflag:$0x4], $0x80, s1, s18, $0xb8;
	[tilespmem:$0x1F4A0] =	vst v63  }
0xca: {  	_ =	swait.ge [sflag:s15], $0x1400  }
0xcb: {  	[sflag:s15] =	ssyncset.done $0x0  }
0xcc: {  	[sflag:s15] =	ssyncadd.s32 $0xFFFFEC00  }
0xcd: {  	[spmem:s3] =	stream.indirect.scatter.add.f32 [tilespmem:s23], [sflag:$0x4], $0x10, s1, s18, $0xb8;
	[tilespmem:$0x1F4A0] =	vst v63  }
0xce: {  	_ =	swait.ge [sflag:s15], $0x280  }
0xcf: {  	[sflag:s15] =	ssyncset.done $0x0  }
0xd0: {  	[sflag:s15] =	ssyncadd.s32 $0xFFFFFD80  }
0xd1: {  	[bflag:$0x0] =	sbarrier.arrive $0xFFFF  }
0xd2: {  	[hbm:s11], [sflag:s7] =	dma.local [spmem:s14], $0x2800  }
0xd3: {  	s0 =	sadd.s32 $0x1, s0;
	_ =	swait.ge [sflag:s15], $0x2800  }
0xd4: {  	p0 =	sne.s32 s0, s13;
	[sflag:s15] =	ssyncset.done $0x0  }
.Ltmp1:
0xd5: {  	[sflag:s15] =	ssyncadd.s32 $0xFFFFD800;
	(pc) =	sbr.rel @p0 .LBB2_1-.Ltmp1, $4  }
0xd6: {  	[hbm:s12], [sflag:s7] =	dma.local [spmem:s16], $0x500  }
0xd7: {  	_ =	swait.ge [sflag:s15], $0x500  }
0xd8: {  	[sflag:s15] =	ssyncset.done $0x0  }
0xd9: {  	[sflag:s15] =	ssyncadd.s32 $0xFFFFFB00  }
0xda: {  	_ =	sfence.sel $0x180000  }
0xdb: {  	[bflag:$0x0] =	sbarrier.arrive $0xFFFF  }
0xdc: {  	_ =	strace $0x90000047  }
0xdd: {  	s0 =	stileid.u32;
	[bflag:$0x2] =	sbarrier.arrive $0xFFFF  }
0xde: {  	p0 =	sne.s32 s0, $0x0;
	s0 =	rddreg [dreg:$0x4]  }
0xdf: {  	s0 =	sadd.s32 @!p0 $0x100000, s0  }
0xe0: {  	[sflag:s0] =	ssyncadd.tile.s32 @!p0 $0x1;
	_ =	shalt  }
.Lfunc_end2:
_tile_overlayer_lowered:
.L_overlay_start_2:
0xe1: {  	(tag) =	ssettag $0x2  }
0xe2: {  	s0 =	rddreg [dreg:$0x0];
	s2 =	stileid.u32  }
0xe3: {  	s1 =	rddreg [dreg:$0x1];
	p0 =	sne.s32 s2, $0x0  }
0xe4: {  	s3 =	rddreg [dreg:$0x2];
	[bflag:$0x3] =	sbarrier.arrive $0xFFFF;
	s2 =	simm.s32 @!p0 $0x1C04  }
0xe5: {  	[timem:s3], [sflag:s2] =	dma.local @!p0 [hbm:s0], s1  }
0xe6: {  	s0 =	simm.s32 @!p0 $0x4  }
0xe7: {  	_ =	swait.ge @!p0 [sflag:s0], s1  }
0xe8: {  	s1 =	ssub.s32 @!p0 $0x0, s1;
	[sflag:s0] =	ssyncset.done @!p0 $0x0  }
0xe9: {  	[sflag:s0] =	ssyncadd.s32 @!p0 s1  }
0xea: {  	[bflag:$0x3] =	sbarrier.arrive $0xFFFF  }
0xeb: {  	_ =	shalt  }

</sc_bundles>
